<compile_context>
chip_gen: v7x
topology: tpu7x:2x2x1
jax: 0.10.2.dev20260603
libtpu: 0.0.44.dev20260713+nightly
codegen_flags: <defaults>
</compile_context>

<pallas_src>
import functools

import jax
import jax.numpy as jnp
from jax import lax
from jax.experimental import pallas as pl
from jax.experimental.pallas import tpu as pltpu
from jax.experimental.pallas import tpu_sc as plsc

G = 2
V = 320
DG = 128
H = 512
BT = 8192
TOK_BLK = 2048
N_BLK = BT // TOK_BLK

NS = 16
RPW = BT // NS
CH = 128
NCH = RPW // CH
IDX_ROWS = BT // CH


def _proj_argmax_body(hs_ref, w_ref, b_ref, idx0_ref, idx1_ref, ppl_ref,
                      counts_scr):
    i = pl.program_id(0)

    @pl.when(i == 0)
    def _init():
        counts_scr[...] = jnp.zeros_like(counts_scr)

    hs = hs_ref[...]
    w = w_ref[...]
    crows = []
    for g, idx_ref in ((0, idx0_ref), (1, idx1_ref)):
        wg = w[g * V:(g + 1) * V, :]
        logits = lax.dot_general(
            hs, wg, (((1,), (1,)), ((), ())),
            preferred_element_type=jnp.float32)
        logits = logits + b_ref[0, g * V:(g + 1) * V][None, :]
        m = jnp.max(logits, axis=1, keepdims=True)
        eq = logits == m
        iota = lax.broadcasted_iota(jnp.int32, logits.shape, 1)
        idx = jnp.min(jnp.where(eq, iota, V), axis=1)
        crows.append(jnp.sum(eq.astype(jnp.float32), axis=0, keepdims=True))
        idx_ref[...] = (idx + g * V).reshape(TOK_BLK // CH, CH)
    counts_scr[...] += jnp.concatenate(crows, axis=0)

    @pl.when(i == N_BLK - 1)
    def _finish():
        p = counts_scr[...] * (1.0 / BT)
        ent = -jnp.sum(p * jnp.log(p + 1e-7), axis=1, keepdims=True)
        ppl_ref[...] = jnp.sum(jnp.exp(ent), axis=0, keepdims=True)


_proj_argmax = pl.pallas_call(
    _proj_argmax_body,
    grid=(N_BLK,),
    in_specs=[
        pl.BlockSpec((TOK_BLK, H), lambda i: (i, 0)),
        pl.BlockSpec((G * V, H), lambda i: (0, 0)),
        pl.BlockSpec((1, G * V), lambda i: (0, 0)),
    ],
    out_specs=[
        pl.BlockSpec((TOK_BLK // CH, CH), lambda i: (i, 0)),
        pl.BlockSpec((TOK_BLK // CH, CH), lambda i: (i, 0)),
        pl.BlockSpec((1, 1), lambda i: (0, 0)),
    ],
    out_shape=[
        jax.ShapeDtypeStruct((IDX_ROWS, CH), jnp.int32),
        jax.ShapeDtypeStruct((IDX_ROWS, CH), jnp.int32),
        jax.ShapeDtypeStruct((1, 1), jnp.float32),
    ],
    scratch_shapes=[pltpu.VMEM((G, V), jnp.float32)],
)


@functools.cache
def _make_sc_gather():
    mesh = plsc.VectorSubcoreMesh(core_axis_name="c", subcore_axis_name="s")

    @functools.partial(
        pl.kernel,
        mesh=mesh,
        out_type=jax.ShapeDtypeStruct((4, BT // 4, G * DG), jnp.float32),
        scratch_types=[
            pltpu.VMEM((NCH, CH), jnp.int32),
            pltpu.VMEM((RPW, DG), jnp.float32),
            pltpu.VMEM_SHARED((G * V, DG), jnp.float32),
            pltpu.SemaphoreType.DMA,
            pltpu.SemaphoreType.DMA,
        ],
    )
    def _sc_gather(table_hbm, idx0_hbm, idx1_hbm, out_hbm, idx_v, rows_v,
                   tab_sp, gsem, wsem):
        cid = lax.axis_index("c")
        sid = lax.axis_index("s")
        bat = sid // 4
        s0 = (sid % 4) * RPW

        @pl.when(sid == 0)
        def _stage():
            pltpu.sync_copy(table_hbm, tab_sp)

        plsc.subcore_barrier()

        def run(g, idx_hbm):
            pltpu.sync_copy(idx_hbm.at[pl.ds(sid * NCH, NCH)], idx_v)
            gathers = [
                pltpu.async_copy(tab_sp.at[idx_v.at[j]],
                                 rows_v.at[pl.ds(j * CH, CH)], gsem)
                for j in range(NCH)
            ]
            writes = []
            for j in range(NCH):
                gathers[j].wait()
                writes.append(pltpu.async_copy(
                    rows_v.at[pl.ds(j * CH, CH)],
                    out_hbm.at[bat, pl.ds(s0 + j * CH, CH),
                               pl.ds(g * DG, DG)], wsem))
            for wcp in writes:
                wcp.wait()

        @pl.when(cid == 0)
        def _g0():
            run(0, idx0_hbm)

        @pl.when(cid == 1)
        def _g1():
            run(1, idx1_hbm)

    return _sc_gather


def kernel(hidden_states, W, b, codevectors):
    batch, seq, hidden = hidden_states.shape
    hs2 = hidden_states.reshape(batch * seq, hidden)
    idx0, idx1, ppl = _proj_argmax(hs2, W, b.reshape(1, G * V))
    table = codevectors.reshape(G * V, DG)
    codevecs = _make_sc_gather()(table, idx0, idx1)
    return codevecs, ppl[0, 0]

# --- scband reference (transcript-rebuilt; emitter-appended) ---
"""Pipeline reference for scband-wav2-vec2-gumbel-vector-quantizer-17763984736814 (READ-ONLY COPY).

The authoritative reference and input builder live on the scoring server;
editing this copy changes nothing except your own understanding.
"""

import jax, jax.numpy as jnp
import numpy as np

NUM_GROUPS = 2
NUM_VARS = 320
CODEVECTOR_DIM = 256
HIDDEN = 512
B, S = 4, 2048


def setup_inputs(seed: int = 0) -> dict:
    key = jax.random.key(seed)
    k1, k2, k3 = jax.random.split(key, 3)
    hidden_states = jax.random.normal(k1, (B, S, HIDDEN), dtype=jnp.float32)
    # weight_proj: Linear(HIDDEN -> NUM_GROUPS * NUM_VARS)
    W = jax.random.normal(k2, (NUM_GROUPS * NUM_VARS, HIDDEN), dtype=jnp.float32) * 0.02
    b = jnp.zeros((NUM_GROUPS * NUM_VARS,), dtype=jnp.float32)
    # codevectors: [1, G*V, codevector_dim // G]
    codevectors = jax.random.normal(k3, (1, NUM_GROUPS * NUM_VARS, CODEVECTOR_DIM // NUM_GROUPS), dtype=jnp.float32)
    return {"hidden_states": hidden_states, "W": W, "b": b, "codevectors": codevectors}


def reference(hidden_states, W, b, codevectors):
    # Eval-mode path (deterministic): hard argmax one-hot instead of gumbel sampling.
    batch_size, sequence_length, hidden_size = hidden_states.shape
    logits = hidden_states @ W.T + b  # [B, S, G*V]
    logits = logits.reshape(batch_size * sequence_length * NUM_GROUPS, NUM_VARS)
    codevector_idx = jnp.argmax(logits, axis=-1)
    # scatter 1.0 into zeros == one-hot
    codevector_probs = jax.nn.one_hot(codevector_idx, NUM_VARS, dtype=logits.dtype)
    codevector_probs = codevector_probs.reshape(batch_size * sequence_length, NUM_GROUPS, NUM_VARS)
    # perplexity (no mask)
    marginal_probs = codevector_probs.mean(axis=0)
    perplexity = jnp.exp(-jnp.sum(marginal_probs * jnp.log(marginal_probs + 1e-07), axis=-1)).sum()
    # codevectors_per_group = probs[..., None] * codevectors; view [BT,G,V,d/G]; sum over V
    cv = codevectors.reshape(NUM_GROUPS, NUM_VARS, CODEVECTOR_DIM // NUM_GROUPS)
    codevecs = jnp.einsum('tgv,gvd->tgd', codevector_probs, cv)
    codevecs = codevecs.reshape(batch_size, sequence_length, -1)
    return (codevecs, perplexity)

if __name__ == "__main__":
    import jax
    _d = setup_inputs()
    print(jax.jit(kernel)(*tuple(_d.values())))

</pallas_src>

<mosaic_0001>
#map = affine_map<(d0, d1) -> (0, 0)>
#map1 = affine_map<(d0, d1) -> (0, 0, 0)>
module attributes {stable_mosaic.version = 14 : i64} {
  func.func @_sc_gather(%arg0: i32, %arg1: i32, %arg2: memref<640x128xf32, #tpu.memory_space<hbm>>, %arg3: memref<64x128xi32, #tpu.memory_space<hbm>>, %arg4: memref<64x128xi32, #tpu.memory_space<hbm>>, %arg5: memref<4x2048x256xf32, #tpu.memory_space<hbm>>, %arg6: memref<4x128xi32, #tpu.memory_space<vmem>>, %arg7: memref<512x128xf32, #tpu.memory_space<vmem>>, %arg8: memref<640x128xf32, #tpu.memory_space<vmem_shared>>, %arg9: memref<!tpu.dma_semaphore, #tpu.memory_space<semaphore_mem>>, %arg10: memref<!tpu.dma_semaphore, #tpu.memory_space<semaphore_mem>>) attributes {dimension_semantics = [#tpu.dimension_semantics<core_parallel>, #tpu.dimension_semantics<subcore_parallel>], iteration_bounds = array<i64: 2, 16>, scalar_prefetch = 0 : i64, scratch_operands = 5 : i64, tpu.core_type = #tpu.core_type<sc_vector_subcore>, window_params = [{transform_indices = #map}, {transform_indices = #map}, {transform_indices = #map}, {transform_indices = #map1}]} {
    %jit3A = arith.constant 4 : i32
    %div3A = arith.divsi %arg1, %jit3A : i32
    %sign3A = arith.constant 0 : i32
    %sign3A_0 = arith.cmpi sgt, %arg1, %sign3A : i32
    %sign3A_1 = arith.extui %sign3A_0 : i1 to i32
    %sign3A_2 = arith.constant 0 : i32
    %sign3A_3 = arith.cmpi slt, %arg1, %sign3A_2 : i32
    %sign3A_4 = arith.extui %sign3A_3 : i1 to i32
    %sign3A_5 = arith.subi %sign3A_1, %sign3A_4 : i32
    %sign3A_6 = arith.constant 0 : i32
    %sign3A_7 = arith.cmpi sgt, %jit3A, %sign3A_6 : i32
    %sign3A_8 = arith.extui %sign3A_7 : i1 to i32
    %sign3A_9 = arith.constant 0 : i32
    %sign3A_10 = arith.cmpi slt, %jit3A, %sign3A_9 : i32
    %sign3A_11 = arith.extui %sign3A_10 : i1 to i32
    %sign3A_12 = arith.subi %sign3A_8, %sign3A_11 : i32
    %ne3A = arith.cmpi ne, %sign3A_5, %sign3A_12 : i32
    %rem3A = arith.remsi %arg1, %jit3A : i32
    %ne3A_13 = arith.constant 0 : i32
    %ne3A_14 = arith.cmpi ne, %rem3A, %ne3A_13 : i32
    %and3A = arith.andi %ne3A, %ne3A_14 : i1
    %sub3A = arith.constant 1 : i32
    %sub3A_15 = arith.subi %div3A, %sub3A : i32
    %select_n3A = arith.select %and3A, %sub3A_15, %div3A : i32
    %jit3A_16 = arith.constant 4 : i32
    %eq3A = arith.constant 0 : i32
    %eq3A_17 = arith.cmpi eq, %jit3A_16, %eq3A : i32
    %jit3A_18 = arith.constant 1 : i32
    %select_n3A_19 = arith.select %eq3A_17, %jit3A_18, %jit3A_16 : i32
    %rem3A_20 = arith.remsi %arg1, %select_n3A_19 : i32
    %ne3A_21 = arith.constant 0 : i32
    %ne3A_22 = arith.cmpi ne, %rem3A_20, %ne3A_21 : i32
    %lt3A = arith.constant 0 : i32
    %lt3A_23 = arith.cmpi slt, %rem3A_20, %lt3A : i32
    %lt3A_24 = arith.constant 0 : i32
    %lt3A_25 = arith.cmpi slt, %select_n3A_19, %lt3A_24 : i32
    %ne3A_26 = arith.xori %lt3A_23, %lt3A_25 : i1
    %and3A_27 = arith.andi %ne3A_26, %ne3A_22 : i1
    %add3A = arith.addi %rem3A_20, %select_n3A_19 : i32
    %select_n3A_28 = arith.select %and3A_27, %add3A, %rem3A_20 : i32
    %mul3A = arith.constant 512 : i32
    %mul3A_29 = arith.muli %select_n3A_28, %mul3A : i32
    %eq3A_30 = arith.constant 0 : i32
    %eq3A_31 = arith.cmpi eq, %arg1, %eq3A_30 : i32
    %convert_element_type3A = arith.extui %eq3A_31 : i1 to i32
    %cond3A = arith.constant 0 : i32
    %cond3A_32 = arith.cmpi ne, %convert_element_type3A, %cond3A : i32
    scf.if %cond3A_32 {
      "tpu.region"() ({
        %run_scoped3A = tpu.sem_alloc : memref<!tpu.dma_semaphore, #tpu.memory_space<semaphore_mem>>
        tpu.enqueue_dma source(%arg2 : memref<640x128xf32, #tpu.memory_space<hbm>>) target(%arg8 : memref<640x128xf32, #tpu.memory_space<vmem_shared>>) target_semaphore(%run_scoped3A : memref<!tpu.dma_semaphore, #tpu.memory_space<semaphore_mem>>)
        tpu.wait_dma2 semaphore(%run_scoped3A : memref<!tpu.dma_semaphore, #tpu.memory_space<semaphore_mem>>) src(%arg2 : memref<640x128xf32, #tpu.memory_space<hbm>>) dst(%arg8 : memref<640x128xf32, #tpu.memory_space<vmem_shared>>)
        tpu.yield
      }) : () -> ()
    } else {
    }
    %barrier3A = arith.constant 0 : index
    tpu.barrier barrier_id(%barrier3A)
    %eq3A_33 = arith.constant 0 : i32
    %eq3A_34 = arith.cmpi eq, %arg0, %eq3A_33 : i32
    %convert_element_type3A_35 = arith.extui %eq3A_34 : i1 to i32
    %cond3A_36 = arith.constant 0 : i32
    %cond3A_37 = arith.cmpi ne, %convert_element_type3A_35, %cond3A_36 : i32
    scf.if %cond3A_37 {
      %mul3A_43 = arith.constant 4 : i32
      %mul3A_44 = arith.muli %arg1, %mul3A_43 : i32
      "tpu.region"() ({
        %run_scoped3A = tpu.sem_alloc : memref<!tpu.dma_semaphore, #tpu.memory_space<semaphore_mem>>
        %dma_start3A_227 = arith.constant 0 : i32
        %dma_start3A_228 = tpu.memref_slice %arg3[%mul3A_44, %dma_start3A_227] : memref<64x128xi32, #tpu.memory_space<hbm>> -> memref<4x128xi32, #tpu.memory_space<hbm>>
        %dma_start3A_229 = arith.constant 0 : i32
        %dma_start3A_230 = tpu.memref_slice %arg3[%mul3A_44, %dma_start3A_229] : memref<64x128xi32, #tpu.memory_space<hbm>> -> memref<4x128xi32, #tpu.memory_space<hbm>>
        tpu.enqueue_dma source(%dma_start3A_230 : memref<4x128xi32, #tpu.memory_space<hbm>>) target(%arg6 : memref<4x128xi32, #tpu.memory_space<vmem>>) target_semaphore(%run_scoped3A : memref<!tpu.dma_semaphore, #tpu.memory_space<semaphore_mem>>)
        %dma_wait3A_231 = arith.constant 0 : i32
        %dma_wait3A_232 = tpu.memref_slice %arg3[%mul3A_44, %dma_wait3A_231] : memref<64x128xi32, #tpu.memory_space<hbm>> -> memref<4x128xi32, #tpu.memory_space<hbm>>
        %dma_wait3A_233 = arith.constant 0 : i32
        %dma_wait3A_234 = tpu.memref_slice %arg3[%mul3A_44, %dma_wait3A_233] : memref<64x128xi32, #tpu.memory_space<hbm>> -> memref<4x128xi32, #tpu.memory_space<hbm>>
        tpu.wait_dma2 semaphore(%run_scoped3A : memref<!tpu.dma_semaphore, #tpu.memory_space<semaphore_mem>>) src(%dma_wait3A_234 : memref<4x128xi32, #tpu.memory_space<hbm>>) dst(%arg6 : memref<4x128xi32, #tpu.memory_space<vmem>>)
        tpu.yield
      }) : () -> ()
      %dma_start3A = arith.constant 0 : i32
      %dma_start3A_45 = arith.constant 0 : i32
      %dma_start3A_46 = arith.constant 0 : i32
      %dma_start3A_47 = tpu.memref_slice %arg7[%dma_start3A_45, %dma_start3A_46] : memref<512x128xf32, #tpu.memory_space<vmem>> -> memref<128x128xf32, #tpu.memory_space<vmem>>
      %dma_start3A_48 = arith.constant 0 : i32
      %dma_start3A_49 = tpu.memref_slice %arg6[%dma_start3A, %dma_start3A_48] : memref<4x128xi32, #tpu.memory_space<vmem>> -> memref<1x128xi32, #tpu.memory_space<vmem>>
      %dma_start3A_50 = tpu.memref_squeeze %dma_start3A_49 : memref<1x128xi32, #tpu.memory_space<vmem>> -> memref<128xi32, #tpu.memory_space<vmem>>
      %dma_start3A_51 = arith.constant 0 : i32
      %dma_start3A_52 = arith.constant 0 : i32
      %dma_start3A_53 = tpu.memref_slice %arg8[%dma_start3A_51, %dma_start3A_52] : memref<640x128xf32, #tpu.memory_space<vmem_shared>> -> memref<640x128xf32, #tpu.memory_space<vmem_shared>>
      tpu.enqueue_indirect_dma source(%dma_start3A_53 : memref<640x128xf32, #tpu.memory_space<vmem_shared>>) target(%dma_start3A_47 : memref<128x128xf32, #tpu.memory_space<vmem>>) offsets(%dma_start3A_50 : memref<128xi32, #tpu.memory_space<vmem>>) semaphore(%arg9 : memref<!tpu.dma_semaphore, #tpu.memory_space<semaphore_mem>>)
      %dma_start3A_54 = arith.constant 1 : i32
      %dma_start3A_55 = arith.constant 128 : i32
      %dma_start3A_56 = arith.constant 0 : i32
      %dma_start3A_57 = tpu.memref_slice %arg7[%dma_start3A_55, %dma_start3A_56] : memref<512x128xf32, #tpu.memory_space<vmem>> -> memref<128x128xf32, #tpu.memory_space<vmem>>
      %dma_start3A_58 = arith.constant 0 : i32
      %dma_start3A_59 = tpu.memref_slice %arg6[%dma_start3A_54, %dma_start3A_58] : memref<4x128xi32, #tpu.memory_space<vmem>> -> memref<1x128xi32, #tpu.memory_space<vmem>>
      %dma_start3A_60 = tpu.memref_squeeze %dma_start3A_59 : memref<1x128xi32, #tpu.memory_space<vmem>> -> memref<128xi32, #tpu.memory_space<vmem>>
      %dma_start3A_61 = arith.constant 0 : i32
      %dma_start3A_62 = arith.constant 0 : i32
      %dma_start3A_63 = tpu.memref_slice %arg8[%dma_start3A_61, %dma_start3A_62] : memref<640x128xf32, #tpu.memory_space<vmem_shared>> -> memref<640x128xf32, #tpu.memory_space<vmem_shared>>
      tpu.enqueue_indirect_dma source(%dma_start3A_63 : memref<640x128xf32, #tpu.memory_space<vmem_shared>>) target(%dma_start3A_57 : memref<128x128xf32, #tpu.memory_space<vmem>>) offsets(%dma_start3A_60 : memref<128xi32, #tpu.memory_space<vmem>>) semaphore(%arg9 : memref<!tpu.dma_semaphore, #tpu.memory_space<semaphore_mem>>)
      %dma_start3A_64 = arith.constant 2 : i32
      %dma_start3A_65 = arith.constant 256 : i32
      %dma_start3A_66 = arith.constant 0 : i32
      %dma_start3A_67 = tpu.memref_slice %arg7[%dma_start3A_65, %dma_start3A_66] : memref<512x128xf32, #tpu.memory_space<vmem>> -> memref<128x128xf32, #tpu.memory_space<vmem>>
      %dma_start3A_68 = arith.constant 0 : i32
      %dma_start3A_69 = tpu.memref_slice %arg6[%dma_start3A_64, %dma_start3A_68] : memref<4x128xi32, #tpu.memory_space<vmem>> -> memref<1x128xi32, #tpu.memory_space<vmem>>
      %dma_start3A_70 = tpu.memref_squeeze %dma_start3A_69 : memref<1x128xi32, #tpu.memory_space<vmem>> -> memref<128xi32, #tpu.memory_space<vmem>>
      %dma_start3A_71 = arith.constant 0 : i32
      %dma_start3A_72 = arith.constant 0 : i32
      %dma_start3A_73 = tpu.memref_slice %arg8[%dma_start3A_71, %dma_start3A_72] : memref<640x128xf32, #tpu.memory_space<vmem_shared>> -> memref<640x128xf32, #tpu.memory_space<vmem_shared>>
      tpu.enqueue_indirect_dma source(%dma_start3A_73 : memref<640x128xf32, #tpu.memory_space<vmem_shared>>) target(%dma_start3A_67 : memref<128x128xf32, #tpu.memory_space<vmem>>) offsets(%dma_start3A_70 : memref<128xi32, #tpu.memory_space<vmem>>) semaphore(%arg9 : memref<!tpu.dma_semaphore, #tpu.memory_space<semaphore_mem>>)
      %dma_start3A_74 = arith.constant 3 : i32
      %dma_start3A_75 = arith.constant 384 : i32
      %dma_start3A_76 = arith.constant 0 : i32
      %dma_start3A_77 = tpu.memref_slice %arg7[%dma_start3A_75, %dma_start3A_76] : memref<512x128xf32, #tpu.memory_space<vmem>> -> memref<128x128xf32, #tpu.memory_space<vmem>>
      %dma_start3A_78 = arith.constant 0 : i32
      %dma_start3A_79 = tpu.memref_slice %arg6[%dma_start3A_74, %dma_start3A_78] : memref<4x128xi32, #tpu.memory_space<vmem>> -> memref<1x128xi32, #tpu.memory_space<vmem>>
      %dma_start3A_80 = tpu.memref_squeeze %dma_start3A_79 : memref<1x128xi32, #tpu.memory_space<vmem>> -> memref<128xi32, #tpu.memory_space<vmem>>
      %dma_start3A_81 = arith.constant 0 : i32
      %dma_start3A_82 = arith.constant 0 : i32
      %dma_start3A_83 = tpu.memref_slice %arg8[%dma_start3A_81, %dma_start3A_82] : memref<640x128xf32, #tpu.memory_space<vmem_shared>> -> memref<640x128xf32, #tpu.memory_space<vmem_shared>>
      tpu.enqueue_indirect_dma source(%dma_start3A_83 : memref<640x128xf32, #tpu.memory_space<vmem_shared>>) target(%dma_start3A_77 : memref<128x128xf32, #tpu.memory_space<vmem>>) offsets(%dma_start3A_80 : memref<128xi32, #tpu.memory_space<vmem>>) semaphore(%arg9 : memref<!tpu.dma_semaphore, #tpu.memory_space<semaphore_mem>>)
      %dma_wait3A = arith.constant 0 : i32
      %dma_wait3A_84 = arith.constant 0 : i32
      %dma_wait3A_85 = arith.constant 0 : i32
      %dma_wait3A_86 = tpu.memref_slice %arg7[%dma_wait3A_84, %dma_wait3A_85] : memref<512x128xf32, #tpu.memory_space<vmem>> -> memref<128x128xf32, #tpu.memory_space<vmem>>
      %dma_wait3A_87 = arith.constant 0 : i32
      %dma_wait3A_88 = tpu.memref_slice %arg6[%dma_wait3A, %dma_wait3A_87] : memref<4x128xi32, #tpu.memory_space<vmem>> -> memref<1x128xi32, #tpu.memory_space<vmem>>
      %dma_wait3A_89 = tpu.memref_squeeze %dma_wait3A_88 : memref<1x128xi32, #tpu.memory_space<vmem>> -> memref<128xi32, #tpu.memory_space<vmem>>
      %dma_wait3A_90 = arith.constant 0 : i32
      %dma_wait3A_91 = arith.constant 0 : i32
      %dma_wait3A_92 = tpu.memref_slice %arg8[%dma_wait3A_90, %dma_wait3A_91] : memref<640x128xf32, #tpu.memory_space<vmem_shared>> -> memref<640x128xf32, #tpu.memory_space<vmem_shared>>
      tpu.wait_indirect_dma semaphore(%arg9 : memref<!tpu.dma_semaphore, #tpu.memory_space<semaphore_mem>>) src(%dma_wait3A_92 : memref<640x128xf32, #tpu.memory_space<vmem_shared>>) dst(%dma_wait3A_86 : memref<128x128xf32, #tpu.memory_space<vmem>>)
      %add3A_93 = arith.constant 0 : i32
      %add3A_94 = arith.addi %mul3A_29, %add3A_93 : i32
      %dma_start3A_95 = arith.constant 0 : i32
      %dma_start3A_96 = arith.constant 0 : i32
      %dma_start3A_97 = tpu.memref_slice %arg7[%dma_start3A_95, %dma_start3A_96] : memref<512x128xf32, #tpu.memory_space<vmem>> -> memref<128x128xf32, #tpu.memory_space<vmem>>
      %dma_start3A_98 = arith.constant 0 : i32
      %dma_start3A_99 = tpu.memref_slice %arg5[%select_n3A, %add3A_94, %dma_start3A_98] : memref<4x2048x256xf32, #tpu.memory_space<hbm>> -> memref<1x128x128xf32, #tpu.memory_space<hbm>>
      %dma_start3A_100 = tpu.memref_squeeze %dma_start3A_99 : memref<1x128x128xf32, #tpu.memory_space<hbm>> -> memref<128x128xf32, #tpu.memory_space<hbm>>
      %dma_start3A_101 = arith.constant 0 : i32
      %dma_start3A_102 = tpu.memref_slice %arg5[%select_n3A, %add3A_94, %dma_start3A_101] : memref<4x2048x256xf32, #tpu.memory_space<hbm>> -> memref<1x128x128xf32, #tpu.memory_space<hbm>>
      %dma_start3A_103 = tpu.memref_squeeze %dma_start3A_102 : memref<1x128x128xf32, #tpu.memory_space<hbm>> -> memref<128x128xf32, #tpu.memory_space<hbm>>
      %dma_start3A_104 = arith.constant 0 : i32
      %dma_start3A_105 = arith.constant 0 : i32
      %dma_start3A_106 = tpu.memref_slice %arg7[%dma_start3A_104, %dma_start3A_105] : memref<512x128xf32, #tpu.memory_space<vmem>> -> memref<128x128xf32, #tpu.memory_space<vmem>>
      tpu.enqueue_dma source(%dma_start3A_106 : memref<128x128xf32, #tpu.memory_space<vmem>>) target(%dma_start3A_103 : memref<128x128xf32, #tpu.memory_space<hbm>>) target_semaphore(%arg10 : memref<!tpu.dma_semaphore, #tpu.memory_space<semaphore_mem>>)
      %dma_wait3A_107 = arith.constant 1 : i32
      %dma_wait3A_108 = arith.constant 128 : i32
      %dma_wait3A_109 = arith.constant 0 : i32
      %dma_wait3A_110 = tpu.memref_slice %arg7[%dma_wait3A_108, %dma_wait3A_109] : memref<512x128xf32, #tpu.memory_space<vmem>> -> memref<128x128xf32, #tpu.memory_space<vmem>>
      %dma_wait3A_111 = arith.constant 0 : i32
      %dma_wait3A_112 = tpu.memref_slice %arg6[%dma_wait3A_107, %dma_wait3A_111] : memref<4x128xi32, #tpu.memory_space<vmem>> -> memref<1x128xi32, #tpu.memory_space<vmem>>
      %dma_wait3A_113 = tpu.memref_squeeze %dma_wait3A_112 : memref<1x128xi32, #tpu.memory_space<vmem>> -> memref<128xi32, #tpu.memory_space<vmem>>
      %dma_wait3A_114 = arith.constant 0 : i32
      %dma_wait3A_115 = arith.constant 0 : i32
      %dma_wait3A_116 = tpu.memref_slice %arg8[%dma_wait3A_114, %dma_wait3A_115] : memref<640x128xf32, #tpu.memory_space<vmem_shared>> -> memref<640x128xf32, #tpu.memory_space<vmem_shared>>
      tpu.wait_indirect_dma semaphore(%arg9 : memref<!tpu.dma_semaphore, #tpu.memory_space<semaphore_mem>>) src(%dma_wait3A_116 : memref<640x128xf32, #tpu.memory_space<vmem_shared>>) dst(%dma_wait3A_110 : memref<128x128xf32, #tpu.memory_space<vmem>>)
      %add3A_117 = arith.constant 128 : i32
      %add3A_118 = arith.addi %mul3A_29, %add3A_117 : i32
      %dma_start3A_119 = arith.constant 128 : i32
      %dma_start3A_120 = arith.constant 0 : i32
      %dma_start3A_121 = tpu.memref_slice %arg7[%dma_start3A_119, %dma_start3A_120] : memref<512x128xf32, #tpu.memory_space<vmem>> -> memref<128x128xf32, #tpu.memory_space<vmem>>
      %dma_start3A_122 = arith.constant 0 : i32
      %dma_start3A_123 = tpu.memref_slice %arg5[%select_n3A, %add3A_118, %dma_start3A_122] : memref<4x2048x256xf32, #tpu.memory_space<hbm>> -> memref<1x128x128xf32, #tpu.memory_space<hbm>>
      %dma_start3A_124 = tpu.memref_squeeze %dma_start3A_123 : memref<1x128x128xf32, #tpu.memory_space<hbm>> -> memref<128x128xf32, #tpu.memory_space<hbm>>
      %dma_start3A_125 = arith.constant 0 : i32
      %dma_start3A_126 = tpu.memref_slice %arg5[%select_n3A, %add3A_118, %dma_start3A_125] : memref<4x2048x256xf32, #tpu.memory_space<hbm>> -> memref<1x128x128xf32, #tpu.memory_space<hbm>>
      %dma_start3A_127 = tpu.memref_squeeze %dma_start3A_126 : memref<1x128x128xf32, #tpu.memory_space<hbm>> -> memref<128x128xf32, #tpu.memory_space<hbm>>
      %dma_start3A_128 = arith.constant 128 : i32
      %dma_start3A_129 = arith.constant 0 : i32
      %dma_start3A_130 = tpu.memref_slice %arg7[%dma_start3A_128, %dma_start3A_129] : memref<512x128xf32, #tpu.memory_space<vmem>> -> memref<128x128xf32, #tpu.memory_space<vmem>>
      tpu.enqueue_dma source(%dma_start3A_130 : memref<128x128xf32, #tpu.memory_space<vmem>>) target(%dma_start3A_127 : memref<128x128xf32, #tpu.memory_space<hbm>>) target_semaphore(%arg10 : memref<!tpu.dma_semaphore, #tpu.memory_space<semaphore_mem>>)
      %dma_wait3A_131 = arith.constant 2 : i32
      %dma_wait3A_132 = arith.constant 256 : i32
      %dma_wait3A_133 = arith.constant 0 : i32
      %dma_wait3A_134 = tpu.memref_slice %arg7[%dma_wait3A_132, %dma_wait3A_133] : memref<512x128xf32, #tpu.memory_space<vmem>> -> memref<128x128xf32, #tpu.memory_space<vmem>>
      %dma_wait3A_135 = arith.constant 0 : i32
      %dma_wait3A_136 = tpu.memref_slice %arg6[%dma_wait3A_131, %dma_wait3A_135] : memref<4x128xi32, #tpu.memory_space<vmem>> -> memref<1x128xi32, #tpu.memory_space<vmem>>
      %dma_wait3A_137 = tpu.memref_squeeze %dma_wait3A_136 : memref<1x128xi32, #tpu.memory_space<vmem>> -> memref<128xi32, #tpu.memory_space<vmem>>
      %dma_wait3A_138 = arith.constant 0 : i32
      %dma_wait3A_139 = arith.constant 0 : i32
      %dma_wait3A_140 = tpu.memref_slice %arg8[%dma_wait3A_138, %dma_wait3A_139] : memref<640x128xf32, #tpu.memory_space<vmem_shared>> -> memref<640x128xf32, #tpu.memory_space<vmem_shared>>
      tpu.wait_indirect_dma semaphore(%arg9 : memref<!tpu.dma_semaphore, #tpu.memory_space<semaphore_mem>>) src(%dma_wait3A_140 : memref<640x128xf32, #tpu.memory_space<vmem_shared>>) dst(%dma_wait3A_134 : memref<128x128xf32, #tpu.memory_space<vmem>>)
      %add3A_141 = arith.constant 256 : i32
      %add3A_142 = arith.addi %mul3A_29, %add3A_141 : i32
      %dma_start3A_143 = arith.constant 256 : i32
      %dma_start3A_144 = arith.constant 0 : i32
      %dma_start3A_145 = tpu.memref_slice %arg7[%dma_start3A_143, %dma_start3A_144] : memref<512x128xf32, #tpu.memory_space<vmem>> -> memref<128x128xf32, #tpu.memory_space<vmem>>
      %dma_start3A_146 = arith.constant 0 : i32
      %dma_start3A_147 = tpu.memref_slice %arg5[%select_n3A, %add3A_142, %dma_start3A_146] : memref<4x2048x256xf32, #tpu.memory_space<hbm>> -> memref<1x128x128xf32, #tpu.memory_space<hbm>>
      %dma_start3A_148 = tpu.memref_squeeze %dma_start3A_147 : memref<1x128x128xf32, #tpu.memory_space<hbm>> -> memref<128x128xf32, #tpu.memory_space<hbm>>
      %dma_start3A_149 = arith.constant 0 : i32
      %dma_start3A_150 = tpu.memref_slice %arg5[%select_n3A, %add3A_142, %dma_start3A_149] : memref<4x2048x256xf32, #tpu.memory_space<hbm>> -> memref<1x128x128xf32, #tpu.memory_space<hbm>>
      %dma_start3A_151 = tpu.memref_squeeze %dma_start3A_150 : memref<1x128x128xf32, #tpu.memory_space<hbm>> -> memref<128x128xf32, #tpu.memory_space<hbm>>
      %dma_start3A_152 = arith.constant 256 : i32
      %dma_start3A_153 = arith.constant 0 : i32
      %dma_start3A_154 = tpu.memref_slice %arg7[%dma_start3A_152, %dma_start3A_153] : memref<512x128xf32, #tpu.memory_space<vmem>> -> memref<128x128xf32, #tpu.memory_space<vmem>>
      tpu.enqueue_dma source(%dma_start3A_154 : memref<128x128xf32, #tpu.memory_space<vmem>>) target(%dma_start3A_151 : memref<128x128xf32, #tpu.memory_space<hbm>>) target_semaphore(%arg10 : memref<!tpu.dma_semaphore, #tpu.memory_space<semaphore_mem>>)
      %dma_wait3A_155 = arith.constant 3 : i32
      %dma_wait3A_156 = arith.constant 384 : i32
      %dma_wait3A_157 = arith.constant 0 : i32
      %dma_wait3A_158 = tpu.memref_slice %arg7[%dma_wait3A_156, %dma_wait3A_157] : memref<512x128xf32, #tpu.memory_space<vmem>> -> memref<128x128xf32, #tpu.memory_space<vmem>>
      %dma_wait3A_159 = arith.constant 0 : i32
      %dma_wait3A_160 = tpu.memref_slice %arg6[%dma_wait3A_155, %dma_wait3A_159] : memref<4x128xi32, #tpu.memory_space<vmem>> -> memref<1x128xi32, #tpu.memory_space<vmem>>
      %dma_wait3A_161 = tpu.memref_squeeze %dma_wait3A_160 : memref<1x128xi32, #tpu.memory_space<vmem>> -> memref<128xi32, #tpu.memory_space<vmem>>
      %dma_wait3A_162 = arith.constant 0 : i32
      %dma_wait3A_163 = arith.constant 0 : i32
      %dma_wait3A_164 = tpu.memref_slice %arg8[%dma_wait3A_162, %dma_wait3A_163] : memref<640x128xf32, #tpu.memory_space<vmem_shared>> -> memref<640x128xf32, #tpu.memory_space<vmem_shared>>
      tpu.wait_indirect_dma semaphore(%arg9 : memref<!tpu.dma_semaphore, #tpu.memory_space<semaphore_mem>>) src(%dma_wait3A_164 : memref<640x128xf32, #tpu.memory_space<vmem_shared>>) dst(%dma_wait3A_158 : memref<128x128xf32, #tpu.memory_space<vmem>>)
      %add3A_165 = arith.constant 384 : i32
      %add3A_166 = arith.addi %mul3A_29, %add3A_165 : i32
      %dma_start3A_167 = arith.constant 384 : i32
      %dma_start3A_168 = arith.constant 0 : i32
      %dma_start3A_169 = tpu.memref_slice %arg7[%dma_start3A_167, %dma_start3A_168] : memref<512x128xf32, #tpu.memory_space<vmem>> -> memref<128x128xf32, #tpu.memory_space<vmem>>
      %dma_start3A_170 = arith.constant 0 : i32
      %dma_start3A_171 = tpu.memref_slice %arg5[%select_n3A, %add3A_166, %dma_start3A_170] : memref<4x2048x256xf32, #tpu.memory_space<hbm>> -> memref<1x128x128xf32, #tpu.memory_space<hbm>>
      %dma_start3A_172 = tpu.memref_squeeze %dma_start3A_171 : memref<1x128x128xf32, #tpu.memory_space<hbm>> -> memref<128x128xf32, #tpu.memory_space<hbm>>
      %dma_start3A_173 = arith.constant 0 : i32
      %dma_start3A_174 = tpu.memref_slice %arg5[%select_n3A, %add3A_166, %dma_start3A_173] : memref<4x2048x256xf32, #tpu.memory_space<hbm>> -> memref<1x128x128xf32, #tpu.memory_space<hbm>>
      %dma_start3A_175 = tpu.memref_squeeze %dma_start3A_174 : memref<1x128x128xf32, #tpu.memory_space<hbm>> -> memref<128x128xf32, #tpu.memory_space<hbm>>
      %dma_start3A_176 = arith.constant 384 : i32
      %dma_start3A_177 = arith.constant 0 : i32
      %dma_start3A_178 = tpu.memref_slice %arg7[%dma_start3A_176, %dma_start3A_177] : memref<512x128xf32, #tpu.memory_space<vmem>> -> memref<128x128xf32, #tpu.memory_space<vmem>>
      tpu.enqueue_dma source(%dma_start3A_178 : memref<128x128xf32, #tpu.memory_space<vmem>>) target(%dma_start3A_175 : memref<128x128xf32, #tpu.memory_space<hbm>>) target_semaphore(%arg10 : memref<!tpu.dma_semaphore, #tpu.memory_space<semaphore_mem>>)
      %dma_wait3A_179 = arith.constant 0 : i32
      %dma_wait3A_180 = arith.constant 0 : i32
      %dma_wait3A_181 = tpu.memref_slice %arg7[%dma_wait3A_179, %dma_wait3A_180] : memref<512x128xf32, #tpu.memory_space<vmem>> -> memref<128x128xf32, #tpu.memory_space<vmem>>
      %dma_wait3A_182 = arith.constant 0 : i32
      %dma_wait3A_183 = tpu.memref_slice %arg5[%select_n3A, %add3A_94, %dma_wait3A_182] : memref<4x2048x256xf32, #tpu.memory_space<hbm>> -> memref<1x128x128xf32, #tpu.memory_space<hbm>>
      %dma_wait3A_184 = tpu.memref_squeeze %dma_wait3A_183 : memref<1x128x128xf32, #tpu.memory_space<hbm>> -> memref<128x128xf32, #tpu.memory_space<hbm>>
      %dma_wait3A_185 = arith.constant 0 : i32
      %dma_wait3A_186 = tpu.memref_slice %arg5[%select_n3A, %add3A_94, %dma_wait3A_185] : memref<4x2048x256xf32, #tpu.memory_space<hbm>> -> memref<1x128x128xf32, #tpu.memory_space<hbm>>
      %dma_wait3A_187 = tpu.memref_squeeze %dma_wait3A_186 : memref<1x128x128xf32, #tpu.memory_space<hbm>> -> memref<128x128xf32, #tpu.memory_space<hbm>>
      %dma_wait3A_188 = arith.constant 0 : i32
      %dma_wait3A_189 = arith.constant 0 : i32
      %dma_wait3A_190 = tpu.memref_slice %arg7[%dma_wait3A_188, %dma_wait3A_189] : memref<512x128xf32, #tpu.memory_space<vmem>> -> memref<128x128xf32, #tpu.memory_space<vmem>>
      tpu.wait_dma2 semaphore(%arg10 : memref<!tpu.dma_semaphore, #tpu.memory_space<semaphore_mem>>) src(%dma_wait3A_190 : memref<128x128xf32, #tpu.memory_space<vmem>>) dst(%dma_wait3A_187 : memref<128x128xf32, #tpu.memory_space<hbm>>)
      %dma_wait3A_191 = arith.constant 128 : i32
      %dma_wait3A_192 = arith.constant 0 : i32
      %dma_wait3A_193 = tpu.memref_slice %arg7[%dma_wait3A_191, %dma_wait3A_192] : memref<512x128xf32, #tpu.memory_space<vmem>> -> memref<128x128xf32, #tpu.memory_space<vmem>>
      %dma_wait3A_194 = arith.constant 0 : i32
      %dma_wait3A_195 = tpu.memref_slice %arg5[%select_n3A, %add3A_118, %dma_wait3A_194] : memref<4x2048x256xf32, #tpu.memory_space<hbm>> -> memref<1x128x128xf32, #tpu.memory_space<hbm>>
      %dma_wait3A_196 = tpu.memref_squeeze %dma_wait3A_195 : memref<1x128x128xf32, #tpu.memory_space<hbm>> -> memref<128x128xf32, #tpu.memory_space<hbm>>
      %dma_wait3A_197 = arith.constant 0 : i32
      %dma_wait3A_198 = tpu.memref_slice %arg5[%select_n3A, %add3A_118, %dma_wait3A_197] : memref<4x2048x256xf32, #tpu.memory_space<hbm>> -> memref<1x128x128xf32, #tpu.memory_space<hbm>>
      %dma_wait3A_199 = tpu.memref_squeeze %dma_wait3A_198 : memref<1x128x128xf32, #tpu.memory_space<hbm>> -> memref<128x128xf32, #tpu.memory_space<hbm>>
      %dma_wait3A_200 = arith.constant 128 : i32
      %dma_wait3A_201 = arith.constant 0 : i32
      %dma_wait3A_202 = tpu.memref_slice %arg7[%dma_wait3A_200, %dma_wait3A_201] : memref<512x128xf32, #tpu.memory_space<vmem>> -> memref<128x128xf32, #tpu.memory_space<vmem>>
      tpu.wait_dma2 semaphore(%arg10 : memref<!tpu.dma_semaphore, #tpu.memory_space<semaphore_mem>>) src(%dma_wait3A_202 : memref<128x128xf32, #tpu.memory_space<vmem>>) dst(%dma_wait3A_199 : memref<128x128xf32, #tpu.memory_space<hbm>>)
      %dma_wait3A_203 = arith.constant 256 : i32
      %dma_wait3A_204 = arith.constant 0 : i32
      %dma_wait3A_205 = tpu.memref_slice %arg7[%dma_wait3A_203, %dma_wait3A_204] : memref<512x128xf32, #tpu.memory_space<vmem>> -> memref<128x128xf32, #tpu.memory_space<vmem>>
      %dma_wait3A_206 = arith.constant 0 : i32
      %dma_wait3A_207 = tpu.memref_slice %arg5[%select_n3A, %add3A_142, %dma_wait3A_206] : memref<4x2048x256xf32, #tpu.memory_space<hbm>> -> memref<1x128x128xf32, #tpu.memory_space<hbm>>
      %dma_wait3A_208 = tpu.memref_squeeze %dma_wait3A_207 : memref<1x128x128xf32, #tpu.memory_space<hbm>> -> memref<128x128xf32, #tpu.memory_space<hbm>>
      %dma_wait3A_209 = arith.constant 0 : i32
      %dma_wait3A_210 = tpu.memref_slice %arg5[%select_n3A, %add3A_142, %dma_wait3A_209] : memref<4x2048x256xf32, #tpu.memory_space<hbm>> -> memref<1x128x128xf32, #tpu.memory_space<hbm>>
      %dma_wait3A_211 = tpu.memref_squeeze %dma_wait3A_210 : memref<1x128x128xf32, #tpu.memory_space<hbm>> -> memref<128x128xf32, #tpu.memory_space<hbm>>
      %dma_wait3A_212 = arith.constant 256 : i32
      %dma_wait3A_213 = arith.constant 0 : i32
      %dma_wait3A_214 = tpu.memref_slice %arg7[%dma_wait3A_212, %dma_wait3A_213] : memref<512x128xf32, #tpu.memory_space<vmem>> -> memref<128x128xf32, #tpu.memory_space<vmem>>
      tpu.wait_dma2 semaphore(%arg10 : memref<!tpu.dma_semaphore, #tpu.memory_space<semaphore_mem>>) src(%dma_wait3A_214 : memref<128x128xf32, #tpu.memory_space<vmem>>) dst(%dma_wait3A_211 : memref<128x128xf32, #tpu.memory_space<hbm>>)
      %dma_wait3A_215 = arith.constant 384 : i32
      %dma_wait3A_216 = arith.constant 0 : i32
      %dma_wait3A_217 = tpu.memref_slice %arg7[%dma_wait3A_215, %dma_wait3A_216] : memref<512x128xf32, #tpu.memory_space<vmem>> -> memref<128x128xf32, #tpu.memory_space<vmem>>
      %dma_wait3A_218 = arith.constant 0 : i32
      %dma_wait3A_219 = tpu.memref_slice %arg5[%select_n3A, %add3A_166, %dma_wait3A_218] : memref<4x2048x256xf32, #tpu.memory_space<hbm>> -> memref<1x128x128xf32, #tpu.memory_space<hbm>>
      %dma_wait3A_220 = tpu.memref_squeeze %dma_wait3A_219 : memref<1x128x128xf32, #tpu.memory_space<hbm>> -> memref<128x128xf32, #tpu.memory_space<hbm>>
      %dma_wait3A_221 = arith.constant 0 : i32
      %dma_wait3A_222 = tpu.memref_slice %arg5[%select_n3A, %add3A_166, %dma_wait3A_221] : memref<4x2048x256xf32, #tpu.memory_space<hbm>> -> memref<1x128x128xf32, #tpu.memory_space<hbm>>
      %dma_wait3A_223 = tpu.memref_squeeze %dma_wait3A_222 : memref<1x128x128xf32, #tpu.memory_space<hbm>> -> memref<128x128xf32, #tpu.memory_space<hbm>>
      %dma_wait3A_224 = arith.constant 384 : i32
      %dma_wait3A_225 = arith.constant 0 : i32
      %dma_wait3A_226 = tpu.memref_slice %arg7[%dma_wait3A_224, %dma_wait3A_225] : memref<512x128xf32, #tpu.memory_space<vmem>> -> memref<128x128xf32, #tpu.memory_space<vmem>>
      tpu.wait_dma2 semaphore(%arg10 : memref<!tpu.dma_semaphore, #tpu.memory_space<semaphore_mem>>) src(%dma_wait3A_226 : memref<128x128xf32, #tpu.memory_space<vmem>>) dst(%dma_wait3A_223 : memref<128x128xf32, #tpu.memory_space<hbm>>)
    } else {
    }
    %eq3A_38 = arith.constant 1 : i32
    %eq3A_39 = arith.cmpi eq, %arg0, %eq3A_38 : i32
    %convert_element_type3A_40 = arith.extui %eq3A_39 : i1 to i32
    %cond3A_41 = arith.constant 0 : i32
    %cond3A_42 = arith.cmpi ne, %convert_element_type3A_40, %cond3A_41 : i32
    scf.if %cond3A_42 {
      %mul3A_43 = arith.constant 4 : i32
      %mul3A_44 = arith.muli %arg1, %mul3A_43 : i32
      "tpu.region"() ({
        %run_scoped3A = tpu.sem_alloc : memref<!tpu.dma_semaphore, #tpu.memory_space<semaphore_mem>>
        %dma_start3A_227 = arith.constant 0 : i32
        %dma_start3A_228 = tpu.memref_slice %arg4[%mul3A_44, %dma_start3A_227] : memref<64x128xi32, #tpu.memory_space<hbm>> -> memref<4x128xi32, #tpu.memory_space<hbm>>
        %dma_start3A_229 = arith.constant 0 : i32
        %dma_start3A_230 = tpu.memref_slice %arg4[%mul3A_44, %dma_start3A_229] : memref<64x128xi32, #tpu.memory_space<hbm>> -> memref<4x128xi32, #tpu.memory_space<hbm>>
        tpu.enqueue_dma source(%dma_start3A_230 : memref<4x128xi32, #tpu.memory_space<hbm>>) target(%arg6 : memref<4x128xi32, #tpu.memory_space<vmem>>) target_semaphore(%run_scoped3A : memref<!tpu.dma_semaphore, #tpu.memory_space<semaphore_mem>>)
        %dma_wait3A_231 = arith.constant 0 : i32
        %dma_wait3A_232 = tpu.memref_slice %arg4[%mul3A_44, %dma_wait3A_231] : memref<64x128xi32, #tpu.memory_space<hbm>> -> memref<4x128xi32, #tpu.memory_space<hbm>>
        %dma_wait3A_233 = arith.constant 0 : i32
        %dma_wait3A_234 = tpu.memref_slice %arg4[%mul3A_44, %dma_wait3A_233] : memref<64x128xi32, #tpu.memory_space<hbm>> -> memref<4x128xi32, #tpu.memory_space<hbm>>
        tpu.wait_dma2 semaphore(%run_scoped3A : memref<!tpu.dma_semaphore, #tpu.memory_space<semaphore_mem>>) src(%dma_wait3A_234 : memref<4x128xi32, #tpu.memory_space<hbm>>) dst(%arg6 : memref<4x128xi32, #tpu.memory_space<vmem>>)
        tpu.yield
      }) : () -> ()
      %dma_start3A = arith.constant 0 : i32
      %dma_start3A_45 = arith.constant 0 : i32
      %dma_start3A_46 = arith.constant 0 : i32
      %dma_start3A_47 = tpu.memref_slice %arg7[%dma_start3A_45, %dma_start3A_46] : memref<512x128xf32, #tpu.memory_space<vmem>> -> memref<128x128xf32, #tpu.memory_space<vmem>>
      %dma_start3A_48 = arith.constant 0 : i32
      %dma_start3A_49 = tpu.memref_slice %arg6[%dma_start3A, %dma_start3A_48] : memref<4x128xi32, #tpu.memory_space<vmem>> -> memref<1x128xi32, #tpu.memory_space<vmem>>
      %dma_start3A_50 = tpu.memref_squeeze %dma_start3A_49 : memref<1x128xi32, #tpu.memory_space<vmem>> -> memref<128xi32, #tpu.memory_space<vmem>>
      %dma_start3A_51 = arith.constant 0 : i32
      %dma_start3A_52 = arith.constant 0 : i32
      %dma_start3A_53 = tpu.memref_slice %arg8[%dma_start3A_51, %dma_start3A_52] : memref<640x128xf32, #tpu.memory_space<vmem_shared>> -> memref<640x128xf32, #tpu.memory_space<vmem_shared>>
      tpu.enqueue_indirect_dma source(%dma_start3A_53 : memref<640x128xf32, #tpu.memory_space<vmem_shared>>) target(%dma_start3A_47 : memref<128x128xf32, #tpu.memory_space<vmem>>) offsets(%dma_start3A_50 : memref<128xi32, #tpu.memory_space<vmem>>) semaphore(%arg9 : memref<!tpu.dma_semaphore, #tpu.memory_space<semaphore_mem>>)
      %dma_start3A_54 = arith.constant 1 : i32
      %dma_start3A_55 = arith.constant 128 : i32
      %dma_start3A_56 = arith.constant 0 : i32
      %dma_start3A_57 = tpu.memref_slice %arg7[%dma_start3A_55, %dma_start3A_56] : memref<512x128xf32, #tpu.memory_space<vmem>> -> memref<128x128xf32, #tpu.memory_space<vmem>>
      %dma_start3A_58 = arith.constant 0 : i32
      %dma_start3A_59 = tpu.memref_slice %arg6[%dma_start3A_54, %dma_start3A_58] : memref<4x128xi32, #tpu.memory_space<vmem>> -> memref<1x128xi32, #tpu.memory_space<vmem>>
      %dma_start3A_60 = tpu.memref_squeeze %dma_start3A_59 : memref<1x128xi32, #tpu.memory_space<vmem>> -> memref<128xi32, #tpu.memory_space<vmem>>
      %dma_start3A_61 = arith.constant 0 : i32
      %dma_start3A_62 = arith.constant 0 : i32
      %dma_start3A_63 = tpu.memref_slice %arg8[%dma_start3A_61, %dma_start3A_62] : memref<640x128xf32, #tpu.memory_space<vmem_shared>> -> memref<640x128xf32, #tpu.memory_space<vmem_shared>>
      tpu.enqueue_indirect_dma source(%dma_start3A_63 : memref<640x128xf32, #tpu.memory_space<vmem_shared>>) target(%dma_start3A_57 : memref<128x128xf32, #tpu.memory_space<vmem>>) offsets(%dma_start3A_60 : memref<128xi32, #tpu.memory_space<vmem>>) semaphore(%arg9 : memref<!tpu.dma_semaphore, #tpu.memory_space<semaphore_mem>>)
      %dma_start3A_64 = arith.constant 2 : i32
      %dma_start3A_65 = arith.constant 256 : i32
      %dma_start3A_66 = arith.constant 0 : i32
      %dma_start3A_67 = tpu.memref_slice %arg7[%dma_start3A_65, %dma_start3A_66] : memref<512x128xf32, #tpu.memory_space<vmem>> -> memref<128x128xf32, #tpu.memory_space<vmem>>
      %dma_start3A_68 = arith.constant 0 : i32
      %dma_start3A_69 = tpu.memref_slice %arg6[%dma_start3A_64, %dma_start3A_68] : memref<4x128xi32, #tpu.memory_space<vmem>> -> memref<1x128xi32, #tpu.memory_space<vmem>>
      %dma_start3A_70 = tpu.memref_squeeze %dma_start3A_69 : memref<1x128xi32, #tpu.memory_space<vmem>> -> memref<128xi32, #tpu.memory_space<vmem>>
      %dma_start3A_71 = arith.constant 0 : i32
      %dma_start3A_72 = arith.constant 0 : i32
      %dma_start3A_73 = tpu.memref_slice %arg8[%dma_start3A_71, %dma_start3A_72] : memref<640x128xf32, #tpu.memory_space<vmem_shared>> -> memref<640x128xf32, #tpu.memory_space<vmem_shared>>
      tpu.enqueue_indirect_dma source(%dma_start3A_73 : memref<640x128xf32, #tpu.memory_space<vmem_shared>>) target(%dma_start3A_67 : memref<128x128xf32, #tpu.memory_space<vmem>>) offsets(%dma_start3A_70 : memref<128xi32, #tpu.memory_space<vmem>>) semaphore(%arg9 : memref<!tpu.dma_semaphore, #tpu.memory_space<semaphore_mem>>)
      %dma_start3A_74 = arith.constant 3 : i32
      %dma_start3A_75 = arith.constant 384 : i32
      %dma_start3A_76 = arith.constant 0 : i32
      %dma_start3A_77 = tpu.memref_slice %arg7[%dma_start3A_75, %dma_start3A_76] : memref<512x128xf32, #tpu.memory_space<vmem>> -> memref<128x128xf32, #tpu.memory_space<vmem>>
      %dma_start3A_78 = arith.constant 0 : i32
      %dma_start3A_79 = tpu.memref_slice %arg6[%dma_start3A_74, %dma_start3A_78] : memref<4x128xi32, #tpu.memory_space<vmem>> -> memref<1x128xi32, #tpu.memory_space<vmem>>
      %dma_start3A_80 = tpu.memref_squeeze %dma_start3A_79 : memref<1x128xi32, #tpu.memory_space<vmem>> -> memref<128xi32, #tpu.memory_space<vmem>>
      %dma_start3A_81 = arith.constant 0 : i32
      %dma_start3A_82 = arith.constant 0 : i32
      %dma_start3A_83 = tpu.memref_slice %arg8[%dma_start3A_81, %dma_start3A_82] : memref<640x128xf32, #tpu.memory_space<vmem_shared>> -> memref<640x128xf32, #tpu.memory_space<vmem_shared>>
      tpu.enqueue_indirect_dma source(%dma_start3A_83 : memref<640x128xf32, #tpu.memory_space<vmem_shared>>) target(%dma_start3A_77 : memref<128x128xf32, #tpu.memory_space<vmem>>) offsets(%dma_start3A_80 : memref<128xi32, #tpu.memory_space<vmem>>) semaphore(%arg9 : memref<!tpu.dma_semaphore, #tpu.memory_space<semaphore_mem>>)
      %dma_wait3A = arith.constant 0 : i32
      %dma_wait3A_84 = arith.constant 0 : i32
      %dma_wait3A_85 = arith.constant 0 : i32
      %dma_wait3A_86 = tpu.memref_slice %arg7[%dma_wait3A_84, %dma_wait3A_85] : memref<512x128xf32, #tpu.memory_space<vmem>> -> memref<128x128xf32, #tpu.memory_space<vmem>>
      %dma_wait3A_87 = arith.constant 0 : i32
      %dma_wait3A_88 = tpu.memref_slice %arg6[%dma_wait3A, %dma_wait3A_87] : memref<4x128xi32, #tpu.memory_space<vmem>> -> memref<1x128xi32, #tpu.memory_space<vmem>>
      %dma_wait3A_89 = tpu.memref_squeeze %dma_wait3A_88 : memref<1x128xi32, #tpu.memory_space<vmem>> -> memref<128xi32, #tpu.memory_space<vmem>>
      %dma_wait3A_90 = arith.constant 0 : i32
      %dma_wait3A_91 = arith.constant 0 : i32
      %dma_wait3A_92 = tpu.memref_slice %arg8[%dma_wait3A_90, %dma_wait3A_91] : memref<640x128xf32, #tpu.memory_space<vmem_shared>> -> memref<640x128xf32, #tpu.memory_space<vmem_shared>>
      tpu.wait_indirect_dma semaphore(%arg9 : memref<!tpu.dma_semaphore, #tpu.memory_space<semaphore_mem>>) src(%dma_wait3A_92 : memref<640x128xf32, #tpu.memory_space<vmem_shared>>) dst(%dma_wait3A_86 : memref<128x128xf32, #tpu.memory_space<vmem>>)
      %add3A_93 = arith.constant 0 : i32
      %add3A_94 = arith.addi %mul3A_29, %add3A_93 : i32
      %dma_start3A_95 = arith.constant 0 : i32
      %dma_start3A_96 = arith.constant 0 : i32
      %dma_start3A_97 = tpu.memref_slice %arg7[%dma_start3A_95, %dma_start3A_96] : memref<512x128xf32, #tpu.memory_space<vmem>> -> memref<128x128xf32, #tpu.memory_space<vmem>>
      %dma_start3A_98 = arith.constant 128 : i32
      %dma_start3A_99 = tpu.memref_slice %arg5[%select_n3A, %add3A_94, %dma_start3A_98] : memref<4x2048x256xf32, #tpu.memory_space<hbm>> -> memref<1x128x128xf32, #tpu.memory_space<hbm>>
      %dma_start3A_100 = tpu.memref_squeeze %dma_start3A_99 : memref<1x128x128xf32, #tpu.memory_space<hbm>> -> memref<128x128xf32, #tpu.memory_space<hbm>>
      %dma_start3A_101 = arith.constant 128 : i32
      %dma_start3A_102 = tpu.memref_slice %arg5[%select_n3A, %add3A_94, %dma_start3A_101] : memref<4x2048x256xf32, #tpu.memory_space<hbm>> -> memref<1x128x128xf32, #tpu.memory_space<hbm>>
      %dma_start3A_103 = tpu.memref_squeeze %dma_start3A_102 : memref<1x128x128xf32, #tpu.memory_space<hbm>> -> memref<128x128xf32, #tpu.memory_space<hbm>>
      %dma_start3A_104 = arith.constant 0 : i32
      %dma_start3A_105 = arith.constant 0 : i32
      %dma_start3A_106 = tpu.memref_slice %arg7[%dma_start3A_104, %dma_start3A_105] : memref<512x128xf32, #tpu.memory_space<vmem>> -> memref<128x128xf32, #tpu.memory_space<vmem>>
      tpu.enqueue_dma source(%dma_start3A_106 : memref<128x128xf32, #tpu.memory_space<vmem>>) target(%dma_start3A_103 : memref<128x128xf32, #tpu.memory_space<hbm>>) target_semaphore(%arg10 : memref<!tpu.dma_semaphore, #tpu.memory_space<semaphore_mem>>)
      %dma_wait3A_107 = arith.constant 1 : i32
      %dma_wait3A_108 = arith.constant 128 : i32
      %dma_wait3A_109 = arith.constant 0 : i32
      %dma_wait3A_110 = tpu.memref_slice %arg7[%dma_wait3A_108, %dma_wait3A_109] : memref<512x128xf32, #tpu.memory_space<vmem>> -> memref<128x128xf32, #tpu.memory_space<vmem>>
      %dma_wait3A_111 = arith.constant 0 : i32
      %dma_wait3A_112 = tpu.memref_slice %arg6[%dma_wait3A_107, %dma_wait3A_111] : memref<4x128xi32, #tpu.memory_space<vmem>> -> memref<1x128xi32, #tpu.memory_space<vmem>>
      %dma_wait3A_113 = tpu.memref_squeeze %dma_wait3A_112 : memref<1x128xi32, #tpu.memory_space<vmem>> -> memref<128xi32, #tpu.memory_space<vmem>>
      %dma_wait3A_114 = arith.constant 0 : i32
      %dma_wait3A_115 = arith.constant 0 : i32
      %dma_wait3A_116 = tpu.memref_slice %arg8[%dma_wait3A_114, %dma_wait3A_115] : memref<640x128xf32, #tpu.memory_space<vmem_shared>> -> memref<640x128xf32, #tpu.memory_space<vmem_shared>>
      tpu.wait_indirect_dma semaphore(%arg9 : memref<!tpu.dma_semaphore, #tpu.memory_space<semaphore_mem>>) src(%dma_wait3A_116 : memref<640x128xf32, #tpu.memory_space<vmem_shared>>) dst(%dma_wait3A_110 : memref<128x128xf32, #tpu.memory_space<vmem>>)
      %add3A_117 = arith.constant 128 : i32
      %add3A_118 = arith.addi %mul3A_29, %add3A_117 : i32
      %dma_start3A_119 = arith.constant 128 : i32
      %dma_start3A_120 = arith.constant 0 : i32
      %dma_start3A_121 = tpu.memref_slice %arg7[%dma_start3A_119, %dma_start3A_120] : memref<512x128xf32, #tpu.memory_space<vmem>> -> memref<128x128xf32, #tpu.memory_space<vmem>>
      %dma_start3A_122 = arith.constant 128 : i32
      %dma_start3A_123 = tpu.memref_slice %arg5[%select_n3A, %add3A_118, %dma_start3A_122] : memref<4x2048x256xf32, #tpu.memory_space<hbm>> -> memref<1x128x128xf32, #tpu.memory_space<hbm>>
      %dma_start3A_124 = tpu.memref_squeeze %dma_start3A_123 : memref<1x128x128xf32, #tpu.memory_space<hbm>> -> memref<128x128xf32, #tpu.memory_space<hbm>>
      %dma_start3A_125 = arith.constant 128 : i32
      %dma_start3A_126 = tpu.memref_slice %arg5[%select_n3A, %add3A_118, %dma_start3A_125] : memref<4x2048x256xf32, #tpu.memory_space<hbm>> -> memref<1x128x128xf32, #tpu.memory_space<hbm>>
      %dma_start3A_127 = tpu.memref_squeeze %dma_start3A_126 : memref<1x128x128xf32, #tpu.memory_space<hbm>> -> memref<128x128xf32, #tpu.memory_space<hbm>>
      %dma_start3A_128 = arith.constant 128 : i32
      %dma_start3A_129 = arith.constant 0 : i32
      %dma_start3A_130 = tpu.memref_slice %arg7[%dma_start3A_128, %dma_start3A_129] : memref<512x128xf32, #tpu.memory_space<vmem>> -> memref<128x128xf32, #tpu.memory_space<vmem>>
      tpu.enqueue_dma source(%dma_start3A_130 : memref<128x128xf32, #tpu.memory_space<vmem>>) target(%dma_start3A_127 : memref<128x128xf32, #tpu.memory_space<hbm>>) target_semaphore(%arg10 : memref<!tpu.dma_semaphore, #tpu.memory_space<semaphore_mem>>)
      %dma_wait3A_131 = arith.constant 2 : i32
      %dma_wait3A_132 = arith.constant 256 : i32
      %dma_wait3A_133 = arith.constant 0 : i32
      %dma_wait3A_134 = tpu.memref_slice %arg7[%dma_wait3A_132, %dma_wait3A_133] : memref<512x128xf32, #tpu.memory_space<vmem>> -> memref<128x128xf32, #tpu.memory_space<vmem>>
      %dma_wait3A_135 = arith.constant 0 : i32
      %dma_wait3A_136 = tpu.memref_slice %arg6[%dma_wait3A_131, %dma_wait3A_135] : memref<4x128xi32, #tpu.memory_space<vmem>> -> memref<1x128xi32, #tpu.memory_space<vmem>>
      %dma_wait3A_137 = tpu.memref_squeeze %dma_wait3A_136 : memref<1x128xi32, #tpu.memory_space<vmem>> -> memref<128xi32, #tpu.memory_space<vmem>>
      %dma_wait3A_138 = arith.constant 0 : i32
      %dma_wait3A_139 = arith.constant 0 : i32
      %dma_wait3A_140 = tpu.memref_slice %arg8[%dma_wait3A_138, %dma_wait3A_139] : memref<640x128xf32, #tpu.memory_space<vmem_shared>> -> memref<640x128xf32, #tpu.memory_space<vmem_shared>>
      tpu.wait_indirect_dma semaphore(%arg9 : memref<!tpu.dma_semaphore, #tpu.memory_space<semaphore_mem>>) src(%dma_wait3A_140 : memref<640x128xf32, #tpu.memory_space<vmem_shared>>) dst(%dma_wait3A_134 : memref<128x128xf32, #tpu.memory_space<vmem>>)
      %add3A_141 = arith.constant 256 : i32
      %add3A_142 = arith.addi %mul3A_29, %add3A_141 : i32
      %dma_start3A_143 = arith.constant 256 : i32
      %dma_start3A_144 = arith.constant 0 : i32
      %dma_start3A_145 = tpu.memref_slice %arg7[%dma_start3A_143, %dma_start3A_144] : memref<512x128xf32, #tpu.memory_space<vmem>> -> memref<128x128xf32, #tpu.memory_space<vmem>>
      %dma_start3A_146 = arith.constant 128 : i32
      %dma_start3A_147 = tpu.memref_slice %arg5[%select_n3A, %add3A_142, %dma_start3A_146] : memref<4x2048x256xf32, #tpu.memory_space<hbm>> -> memref<1x128x128xf32, #tpu.memory_space<hbm>>
      %dma_start3A_148 = tpu.memref_squeeze %dma_start3A_147 : memref<1x128x128xf32, #tpu.memory_space<hbm>> -> memref<128x128xf32, #tpu.memory_space<hbm>>
      %dma_start3A_149 = arith.constant 128 : i32
      %dma_start3A_150 = tpu.memref_slice %arg5[%select_n3A, %add3A_142, %dma_start3A_149] : memref<4x2048x256xf32, #tpu.memory_space<hbm>> -> memref<1x128x128xf32, #tpu.memory_space<hbm>>
      %dma_start3A_151 = tpu.memref_squeeze %dma_start3A_150 : memref<1x128x128xf32, #tpu.memory_space<hbm>> -> memref<128x128xf32, #tpu.memory_space<hbm>>
      %dma_start3A_152 = arith.constant 256 : i32
      %dma_start3A_153 = arith.constant 0 : i32
      %dma_start3A_154 = tpu.memref_slice %arg7[%dma_start3A_152, %dma_start3A_153] : memref<512x128xf32, #tpu.memory_space<vmem>> -> memref<128x128xf32, #tpu.memory_space<vmem>>
      tpu.enqueue_dma source(%dma_start3A_154 : memref<128x128xf32, #tpu.memory_space<vmem>>) target(%dma_start3A_151 : memref<128x128xf32, #tpu.memory_space<hbm>>) target_semaphore(%arg10 : memref<!tpu.dma_semaphore, #tpu.memory_space<semaphore_mem>>)
      %dma_wait3A_155 = arith.constant 3 : i32
      %dma_wait3A_156 = arith.constant 384 : i32
      %dma_wait3A_157 = arith.constant 0 : i32
      %dma_wait3A_158 = tpu.memref_slice %arg7[%dma_wait3A_156, %dma_wait3A_157] : memref<512x128xf32, #tpu.memory_space<vmem>> -> memref<128x128xf32, #tpu.memory_space<vmem>>
      %dma_wait3A_159 = arith.constant 0 : i32
      %dma_wait3A_160 = tpu.memref_slice %arg6[%dma_wait3A_155, %dma_wait3A_159] : memref<4x128xi32, #tpu.memory_space<vmem>> -> memref<1x128xi32, #tpu.memory_space<vmem>>
      %dma_wait3A_161 = tpu.memref_squeeze %dma_wait3A_160 : memref<1x128xi32, #tpu.memory_space<vmem>> -> memref<128xi32, #tpu.memory_space<vmem>>
      %dma_wait3A_162 = arith.constant 0 : i32
      %dma_wait3A_163 = arith.constant 0 : i32
      %dma_wait3A_164 = tpu.memref_slice %arg8[%dma_wait3A_162, %dma_wait3A_163] : memref<640x128xf32, #tpu.memory_space<vmem_shared>> -> memref<640x128xf32, #tpu.memory_space<vmem_shared>>
      tpu.wait_indirect_dma semaphore(%arg9 : memref<!tpu.dma_semaphore, #tpu.memory_space<semaphore_mem>>) src(%dma_wait3A_164 : memref<640x128xf32, #tpu.memory_space<vmem_shared>>) dst(%dma_wait3A_158 : memref<128x128xf32, #tpu.memory_space<vmem>>)
      %add3A_165 = arith.constant 384 : i32
      %add3A_166 = arith.addi %mul3A_29, %add3A_165 : i32
      %dma_start3A_167 = arith.constant 384 : i32
      %dma_start3A_168 = arith.constant 0 : i32
      %dma_start3A_169 = tpu.memref_slice %arg7[%dma_start3A_167, %dma_start3A_168] : memref<512x128xf32, #tpu.memory_space<vmem>> -> memref<128x128xf32, #tpu.memory_space<vmem>>
      %dma_start3A_170 = arith.constant 128 : i32
      %dma_start3A_171 = tpu.memref_slice %arg5[%select_n3A, %add3A_166, %dma_start3A_170] : memref<4x2048x256xf32, #tpu.memory_space<hbm>> -> memref<1x128x128xf32, #tpu.memory_space<hbm>>
      %dma_start3A_172 = tpu.memref_squeeze %dma_start3A_171 : memref<1x128x128xf32, #tpu.memory_space<hbm>> -> memref<128x128xf32, #tpu.memory_space<hbm>>
      %dma_start3A_173 = arith.constant 128 : i32
      %dma_start3A_174 = tpu.memref_slice %arg5[%select_n3A, %add3A_166, %dma_start3A_173] : memref<4x2048x256xf32, #tpu.memory_space<hbm>> -> memref<1x128x128xf32, #tpu.memory_space<hbm>>
      %dma_start3A_175 = tpu.memref_squeeze %dma_start3A_174 : memref<1x128x128xf32, #tpu.memory_space<hbm>> -> memref<128x128xf32, #tpu.memory_space<hbm>>
      %dma_start3A_176 = arith.constant 384 : i32
      %dma_start3A_177 = arith.constant 0 : i32
      %dma_start3A_178 = tpu.memref_slice %arg7[%dma_start3A_176, %dma_start3A_177] : memref<512x128xf32, #tpu.memory_space<vmem>> -> memref<128x128xf32, #tpu.memory_space<vmem>>
      tpu.enqueue_dma source(%dma_start3A_178 : memref<128x128xf32, #tpu.memory_space<vmem>>) target(%dma_start3A_175 : memref<128x128xf32, #tpu.memory_space<hbm>>) target_semaphore(%arg10 : memref<!tpu.dma_semaphore, #tpu.memory_space<semaphore_mem>>)
      %dma_wait3A_179 = arith.constant 0 : i32
      %dma_wait3A_180 = arith.constant 0 : i32
      %dma_wait3A_181 = tpu.memref_slice %arg7[%dma_wait3A_179, %dma_wait3A_180] : memref<512x128xf32, #tpu.memory_space<vmem>> -> memref<128x128xf32, #tpu.memory_space<vmem>>
      %dma_wait3A_182 = arith.constant 128 : i32
      %dma_wait3A_183 = tpu.memref_slice %arg5[%select_n3A, %add3A_94, %dma_wait3A_182] : memref<4x2048x256xf32, #tpu.memory_space<hbm>> -> memref<1x128x128xf32, #tpu.memory_space<hbm>>
      %dma_wait3A_184 = tpu.memref_squeeze %dma_wait3A_183 : memref<1x128x128xf32, #tpu.memory_space<hbm>> -> memref<128x128xf32, #tpu.memory_space<hbm>>
      %dma_wait3A_185 = arith.constant 128 : i32
      %dma_wait3A_186 = tpu.memref_slice %arg5[%select_n3A, %add3A_94, %dma_wait3A_185] : memref<4x2048x256xf32, #tpu.memory_space<hbm>> -> memref<1x128x128xf32, #tpu.memory_space<hbm>>
      %dma_wait3A_187 = tpu.memref_squeeze %dma_wait3A_186 : memref<1x128x128xf32, #tpu.memory_space<hbm>> -> memref<128x128xf32, #tpu.memory_space<hbm>>
      %dma_wait3A_188 = arith.constant 0 : i32
      %dma_wait3A_189 = arith.constant 0 : i32
      %dma_wait3A_190 = tpu.memref_slice %arg7[%dma_wait3A_188, %dma_wait3A_189] : memref<512x128xf32, #tpu.memory_space<vmem>> -> memref<128x128xf32, #tpu.memory_space<vmem>>
      tpu.wait_dma2 semaphore(%arg10 : memref<!tpu.dma_semaphore, #tpu.memory_space<semaphore_mem>>) src(%dma_wait3A_190 : memref<128x128xf32, #tpu.memory_space<vmem>>) dst(%dma_wait3A_187 : memref<128x128xf32, #tpu.memory_space<hbm>>)
      %dma_wait3A_191 = arith.constant 128 : i32
      %dma_wait3A_192 = arith.constant 0 : i32
      %dma_wait3A_193 = tpu.memref_slice %arg7[%dma_wait3A_191, %dma_wait3A_192] : memref<512x128xf32, #tpu.memory_space<vmem>> -> memref<128x128xf32, #tpu.memory_space<vmem>>
      %dma_wait3A_194 = arith.constant 128 : i32
      %dma_wait3A_195 = tpu.memref_slice %arg5[%select_n3A, %add3A_118, %dma_wait3A_194] : memref<4x2048x256xf32, #tpu.memory_space<hbm>> -> memref<1x128x128xf32, #tpu.memory_space<hbm>>
      %dma_wait3A_196 = tpu.memref_squeeze %dma_wait3A_195 : memref<1x128x128xf32, #tpu.memory_space<hbm>> -> memref<128x128xf32, #tpu.memory_space<hbm>>
      %dma_wait3A_197 = arith.constant 128 : i32
      %dma_wait3A_198 = tpu.memref_slice %arg5[%select_n3A, %add3A_118, %dma_wait3A_197] : memref<4x2048x256xf32, #tpu.memory_space<hbm>> -> memref<1x128x128xf32, #tpu.memory_space<hbm>>
      %dma_wait3A_199 = tpu.memref_squeeze %dma_wait3A_198 : memref<1x128x128xf32, #tpu.memory_space<hbm>> -> memref<128x128xf32, #tpu.memory_space<hbm>>
      %dma_wait3A_200 = arith.constant 128 : i32
      %dma_wait3A_201 = arith.constant 0 : i32
      %dma_wait3A_202 = tpu.memref_slice %arg7[%dma_wait3A_200, %dma_wait3A_201] : memref<512x128xf32, #tpu.memory_space<vmem>> -> memref<128x128xf32, #tpu.memory_space<vmem>>
      tpu.wait_dma2 semaphore(%arg10 : memref<!tpu.dma_semaphore, #tpu.memory_space<semaphore_mem>>) src(%dma_wait3A_202 : memref<128x128xf32, #tpu.memory_space<vmem>>) dst(%dma_wait3A_199 : memref<128x128xf32, #tpu.memory_space<hbm>>)
      %dma_wait3A_203 = arith.constant 256 : i32
      %dma_wait3A_204 = arith.constant 0 : i32
      %dma_wait3A_205 = tpu.memref_slice %arg7[%dma_wait3A_203, %dma_wait3A_204] : memref<512x128xf32, #tpu.memory_space<vmem>> -> memref<128x128xf32, #tpu.memory_space<vmem>>
      %dma_wait3A_206 = arith.constant 128 : i32
      %dma_wait3A_207 = tpu.memref_slice %arg5[%select_n3A, %add3A_142, %dma_wait3A_206] : memref<4x2048x256xf32, #tpu.memory_space<hbm>> -> memref<1x128x128xf32, #tpu.memory_space<hbm>>
      %dma_wait3A_208 = tpu.memref_squeeze %dma_wait3A_207 : memref<1x128x128xf32, #tpu.memory_space<hbm>> -> memref<128x128xf32, #tpu.memory_space<hbm>>
      %dma_wait3A_209 = arith.constant 128 : i32
      %dma_wait3A_210 = tpu.memref_slice %arg5[%select_n3A, %add3A_142, %dma_wait3A_209] : memref<4x2048x256xf32, #tpu.memory_space<hbm>> -> memref<1x128x128xf32, #tpu.memory_space<hbm>>
      %dma_wait3A_211 = tpu.memref_squeeze %dma_wait3A_210 : memref<1x128x128xf32, #tpu.memory_space<hbm>> -> memref<128x128xf32, #tpu.memory_space<hbm>>
      %dma_wait3A_212 = arith.constant 256 : i32
      %dma_wait3A_213 = arith.constant 0 : i32
      %dma_wait3A_214 = tpu.memref_slice %arg7[%dma_wait3A_212, %dma_wait3A_213] : memref<512x128xf32, #tpu.memory_space<vmem>> -> memref<128x128xf32, #tpu.memory_space<vmem>>
      tpu.wait_dma2 semaphore(%arg10 : memref<!tpu.dma_semaphore, #tpu.memory_space<semaphore_mem>>) src(%dma_wait3A_214 : memref<128x128xf32, #tpu.memory_space<vmem>>) dst(%dma_wait3A_211 : memref<128x128xf32, #tpu.memory_space<hbm>>)
      %dma_wait3A_215 = arith.constant 384 : i32
      %dma_wait3A_216 = arith.constant 0 : i32
      %dma_wait3A_217 = tpu.memref_slice %arg7[%dma_wait3A_215, %dma_wait3A_216] : memref<512x128xf32, #tpu.memory_space<vmem>> -> memref<128x128xf32, #tpu.memory_space<vmem>>
      %dma_wait3A_218 = arith.constant 128 : i32
      %dma_wait3A_219 = tpu.memref_slice %arg5[%select_n3A, %add3A_166, %dma_wait3A_218] : memref<4x2048x256xf32, #tpu.memory_space<hbm>> -> memref<1x128x128xf32, #tpu.memory_space<hbm>>
      %dma_wait3A_220 = tpu.memref_squeeze %dma_wait3A_219 : memref<1x128x128xf32, #tpu.memory_space<hbm>> -> memref<128x128xf32, #tpu.memory_space<hbm>>
      %dma_wait3A_221 = arith.constant 128 : i32
      %dma_wait3A_222 = tpu.memref_slice %arg5[%select_n3A, %add3A_166, %dma_wait3A_221] : memref<4x2048x256xf32, #tpu.memory_space<hbm>> -> memref<1x128x128xf32, #tpu.memory_space<hbm>>
      %dma_wait3A_223 = tpu.memref_squeeze %dma_wait3A_222 : memref<1x128x128xf32, #tpu.memory_space<hbm>> -> memref<128x128xf32, #tpu.memory_space<hbm>>
      %dma_wait3A_224 = arith.constant 384 : i32
      %dma_wait3A_225 = arith.constant 0 : i32
      %dma_wait3A_226 = tpu.memref_slice %arg7[%dma_wait3A_224, %dma_wait3A_225] : memref<512x128xf32, #tpu.memory_space<vmem>> -> memref<128x128xf32, #tpu.memory_space<vmem>>
      tpu.wait_dma2 semaphore(%arg10 : memref<!tpu.dma_semaphore, #tpu.memory_space<semaphore_mem>>) src(%dma_wait3A_226 : memref<128x128xf32, #tpu.memory_space<vmem>>) dst(%dma_wait3A_223 : memref<128x128xf32, #tpu.memory_space<hbm>>)
    } else {
    }
    return
  }
}

module attributes {stable_mosaic.version = 14 : i64} {
  func.func @_proj_argmax_body(%arg0: i32, %arg1: memref<2048x512xf32, #tpu.memory_space<vmem>>, %arg2: memref<640x512xf32, #tpu.memory_space<vmem>>, %arg3: memref<1x640xf32, #tpu.memory_space<vmem>>, %arg4: memref<16x128xi32, #tpu.memory_space<vmem>>, %arg5: memref<16x128xi32, #tpu.memory_space<vmem>>, %arg6: memref<1x1xf32, #tpu.memory_space<vmem>>, %arg7: memref<2x320xf32, #tpu.memory_space<vmem>>) attributes {dimension_semantics = [#tpu.dimension_semantics<arbitrary>], iteration_bounds = array<i64: 4>, scalar_prefetch = 0 : i64, scratch_operands = 1 : i64, tpu.core_type = #tpu.core_type<tc>, window_params = [{transform_indices = @transform_0, window_bounds = array<i64: 2048, 512>}, {pipeline_mode = #tpu.pipeline_mode<synchronous>, transform_indices = @transform_1, window_bounds = array<i64: 640, 512>}, {pipeline_mode = #tpu.pipeline_mode<synchronous>, transform_indices = @transform_2, window_bounds = array<i64: 1, 640>}, {transform_indices = @transform_3, window_bounds = array<i64: 16, 128>}, {transform_indices = @transform_4, window_bounds = array<i64: 16, 128>}, {pipeline_mode = #tpu.pipeline_mode<synchronous>, transform_indices = @transform_5, window_bounds = array<i64: 1, 1>}]} {
    %eq3A = arith.constant 0 : i32
    %eq3A_0 = arith.cmpi eq, %arg0, %eq3A : i32
    %convert_element_type3A = arith.extui %eq3A_0 : i1 to i32
    %cond3A = arith.constant 0 : i32
    %cond3A_1 = arith.cmpi ne, %convert_element_type3A, %cond3A : i32
    scf.if %cond3A_1 {
      %broadcast_in_dim3A_73 = arith.constant 0.000000e+00 : f32
      %broadcast_in_dim3A_74 = vector.broadcast %broadcast_in_dim3A_73 : f32 to vector<2x320xf32>
      %swap3A_75 = arith.constant 0 : index
      %swap3A_76 = arith.constant 0 : index
      %swap3A_77 = vector.load %arg7[%swap3A_75, %swap3A_76] : memref<2x320xf32, #tpu.memory_space<vmem>>, vector<2x320xf32>
      tpu.vector_store %arg7[%swap3A_75, %swap3A_76], %broadcast_in_dim3A_74 {strides = array<i32>} : memref<2x320xf32, #tpu.memory_space<vmem>>, vector<2x320xf32>,
    } else {
    }
    %get3A = arith.constant 0 : index
    %get3A_2 = arith.constant 0 : index
    %get3A_3 = vector.load %arg1[%get3A, %get3A_2] : memref<2048x512xf32, #tpu.memory_space<vmem>>, vector<2048x512xf32>
    %get3A_4 = arith.constant 0 : index
    %get3A_5 = arith.constant 0 : index
    %get3A_6 = vector.load %arg2[%get3A_4, %get3A_5] : memref<640x512xf32, #tpu.memory_space<vmem>>, vector<640x512xf32>
    %slice3A = vector.extract_strided_slice %get3A_6 {offsets = [0, 0], sizes = [320, 512], strides = [1, 1]} : vector<640x512xf32> to vector<320x512xf32>
    %dot_general3A = arith.constant dense<0.000000e+00> : vector<2048x320xf32>
    %dot_general3A_7 = tpu.matmul %get3A_3, %slice3A, %dot_general3A {dimension_numbers = #tpu.dot_dimension_numbers<[1], [1], [0], [0], [0, 0, 1, 0], [], []>, transpose_lhs_hint = false} : vector<2048x512xf32>, vector<320x512xf32>, vector<2048x320xf32> -> vector<2048x320xf32>
    %get3A_8 = arith.constant 0 : index
    %get3A_9 = arith.constant 0 : index
    %get3A_10 = vector.load %arg3[%get3A_8, %get3A_9] : memref<1x640xf32, #tpu.memory_space<vmem>>, vector<1x320xf32>
    %get3A_11 = vector.shape_cast %get3A_10 : vector<1x320xf32> to vector<320xf32>
    %broadcast_in_dim3A = vector.shape_cast %get3A_11 : vector<320xf32> to vector<1x320xf32>
    %add3A = vector.broadcast %broadcast_in_dim3A : vector<1x320xf32> to vector<2048x320xf32>
    %add3A_12 = arith.addf %dot_general3A_7, %add3A : vector<2048x320xf32>
    %reduce_max3A = arith.constant dense<0xFF800000> : vector<2048xf32>
    %reduce_max3A_13 = vector.multi_reduction <maximumf>, %add3A_12, %reduce_max3A [1] : vector<2048x320xf32> to vector<2048xf32>
    %broadcast_in_dim3A_14 = vector.shape_cast %reduce_max3A_13 : vector<2048xf32> to vector<2048x1xf32>
    %eq3A_15 = vector.broadcast %broadcast_in_dim3A_14 : vector<2048x1xf32> to vector<2048x320xf32>
    %eq3A_16 = arith.cmpf oeq, %add3A_12, %eq3A_15 : vector<2048x320xf32>
    %iota3A = tpu.iota {dimensions = array<i32: 1>} : vector<2048x320xi32>
    %jit3A = arith.constant 320 : i32
    %broadcast_in_dim3A_17 = vector.broadcast %jit3A : i32 to vector<2048x320xi32>
    %select_n3A = arith.select %eq3A_16, %iota3A, %broadcast_in_dim3A_17 : vector<2048x320xi1>, vector<2048x320xi32>
    %reduce_min3A = arith.constant dense<2147483647> : vector<2048xi32>
    %reduce_min3A_18 = vector.multi_reduction <minsi>, %select_n3A, %reduce_min3A [1] : vector<2048x320xi32> to vector<2048xi32>
    %convert_element_type3A_19 = arith.extui %eq3A_16 : vector<2048x320xi1> to vector<2048x320xi32>
    %convert_element_type3A_20 = arith.sitofp %convert_element_type3A_19 : vector<2048x320xi32> to vector<2048x320xf32>
    %reduce_sum3A = arith.constant dense<0.000000e+00> : vector<320xf32>
    %reduce_sum3A_21 = vector.multi_reduction <add>, %convert_element_type3A_20, %reduce_sum3A [0] : vector<2048x320xf32> to vector<320xf32>
    %broadcast_in_dim3A_22 = vector.shape_cast %reduce_sum3A_21 : vector<320xf32> to vector<1x320xf32>
    %add3A_23 = arith.constant 0 : i32
    %add3A_24 = vector.broadcast %add3A_23 : i32 to vector<2048xi32>
    %add3A_25 = arith.addi %reduce_min3A_18, %add3A_24 : vector<2048xi32>
    %reshape3A = vector.shape_cast %add3A_25 : vector<2048xi32> to vector<16x128xi32>
    %swap3A = arith.constant 0 : index
    %swap3A_26 = arith.constant 0 : index
    %swap3A_27 = vector.load %arg4[%swap3A, %swap3A_26] : memref<16x128xi32, #tpu.memory_space<vmem>>, vector<16x128xi32>
    tpu.vector_store %arg4[%swap3A, %swap3A_26], %reshape3A {strides = array<i32>} : memref<16x128xi32, #tpu.memory_space<vmem>>, vector<16x128xi32>,
    %slice3A_28 = vector.extract_strided_slice %get3A_6 {offsets = [320, 0], sizes = [320, 512], strides = [1, 1]} : vector<640x512xf32> to vector<320x512xf32>
    %dot_general3A_29 = arith.constant dense<0.000000e+00> : vector<2048x320xf32>
    %dot_general3A_30 = tpu.matmul %get3A_3, %slice3A_28, %dot_general3A_29 {dimension_numbers = #tpu.dot_dimension_numbers<[1], [1], [0], [0], [0, 0, 1, 0], [], []>, transpose_lhs_hint = false} : vector<2048x512xf32>, vector<320x512xf32>, vector<2048x320xf32> -> vector<2048x320xf32>
    %get3A_31 = arith.constant 0 : index
    %get3A_32 = arith.constant 320 : index
    %get3A_33 = vector.load %arg3[%get3A_31, %get3A_32] : memref<1x640xf32, #tpu.memory_space<vmem>>, vector<1x320xf32>
    %get3A_34 = vector.shape_cast %get3A_33 : vector<1x320xf32> to vector<320xf32>
    %broadcast_in_dim3A_35 = vector.shape_cast %get3A_34 : vector<320xf32> to vector<1x320xf32>
    %add3A_36 = vector.broadcast %broadcast_in_dim3A_35 : vector<1x320xf32> to vector<2048x320xf32>
    %add3A_37 = arith.addf %dot_general3A_30, %add3A_36 : vector<2048x320xf32>
    %reduce_max3A_38 = arith.constant dense<0xFF800000> : vector<2048xf32>
    %reduce_max3A_39 = vector.multi_reduction <maximumf>, %add3A_37, %reduce_max3A_38 [1] : vector<2048x320xf32> to vector<2048xf32>
    %broadcast_in_dim3A_40 = vector.shape_cast %reduce_max3A_39 : vector<2048xf32> to vector<2048x1xf32>
    %eq3A_41 = vector.broadcast %broadcast_in_dim3A_40 : vector<2048x1xf32> to vector<2048x320xf32>
    %eq3A_42 = arith.cmpf oeq, %add3A_37, %eq3A_41 : vector<2048x320xf32>
    %iota3A_43 = tpu.iota {dimensions = array<i32: 1>} : vector<2048x320xi32>
    %jit3A_44 = arith.constant 320 : i32
    %broadcast_in_dim3A_45 = vector.broadcast %jit3A_44 : i32 to vector<2048x320xi32>
    %select_n3A_46 = arith.select %eq3A_42, %iota3A_43, %broadcast_in_dim3A_45 : vector<2048x320xi1>, vector<2048x320xi32>
    %reduce_min3A_47 = arith.constant dense<2147483647> : vector<2048xi32>
    %reduce_min3A_48 = vector.multi_reduction <minsi>, %select_n3A_46, %reduce_min3A_47 [1] : vector<2048x320xi32> to vector<2048xi32>
    %convert_element_type3A_49 = arith.extui %eq3A_42 : vector<2048x320xi1> to vector<2048x320xi32>
    %convert_element_type3A_50 = arith.sitofp %convert_element_type3A_49 : vector<2048x320xi32> to vector<2048x320xf32>
    %reduce_sum3A_51 = arith.constant dense<0.000000e+00> : vector<320xf32>
    %reduce_sum3A_52 = vector.multi_reduction <add>, %convert_element_type3A_50, %reduce_sum3A_51 [0] : vector<2048x320xf32> to vector<320xf32>
    %broadcast_in_dim3A_53 = vector.shape_cast %reduce_sum3A_52 : vector<320xf32> to vector<1x320xf32>
    %add3A_54 = arith.constant 320 : i32
    %add3A_55 = vector.broadcast %add3A_54 : i32 to vector<2048xi32>
    %add3A_56 = arith.addi %reduce_min3A_48, %add3A_55 : vector<2048xi32>
    %reshape3A_57 = vector.shape_cast %add3A_56 : vector<2048xi32> to vector<16x128xi32>
    %swap3A_58 = arith.constant 0 : index
    %swap3A_59 = arith.constant 0 : index
    %swap3A_60 = vector.load %arg5[%swap3A_58, %swap3A_59] : memref<16x128xi32, #tpu.memory_space<vmem>>, vector<16x128xi32>
    tpu.vector_store %arg5[%swap3A_58, %swap3A_59], %reshape3A_57 {strides = array<i32>} : memref<16x128xi32, #tpu.memory_space<vmem>>, vector<16x128xi32>,
    %get3A_61 = arith.constant 0 : index
    %get3A_62 = arith.constant 0 : index
    %get3A_63 = vector.load %arg7[%get3A_61, %get3A_62] : memref<2x320xf32, #tpu.memory_space<vmem>>, vector<2x320xf32>
    %concatenate3A = tpu.concatenate %broadcast_in_dim3A_22, %broadcast_in_dim3A_53 in 0 : vector<1x320xf32>, vector<1x320xf32> -> vector<2x320xf32>
    %add3A_64 = arith.addf %get3A_63, %concatenate3A : vector<2x320xf32>
    %swap3A_65 = arith.constant 0 : index
    %swap3A_66 = arith.constant 0 : index
    %swap3A_67 = vector.load %arg7[%swap3A_65, %swap3A_66] : memref<2x320xf32, #tpu.memory_space<vmem>>, vector<2x320xf32>
    tpu.vector_store %arg7[%swap3A_65, %swap3A_66], %add3A_64 {strides = array<i32>} : memref<2x320xf32, #tpu.memory_space<vmem>>, vector<2x320xf32>,
    %eq3A_68 = arith.constant 3 : i32
    %eq3A_69 = arith.cmpi eq, %arg0, %eq3A_68 : i32
    %convert_element_type3A_70 = arith.extui %eq3A_69 : i1 to i32
    %cond3A_71 = arith.constant 0 : i32
    %cond3A_72 = arith.cmpi ne, %convert_element_type3A_70, %cond3A_71 : i32
    scf.if %cond3A_72 {
      %get3A_73 = arith.constant 0 : index
      %get3A_74 = arith.constant 0 : index
      %get3A_75 = vector.load %arg7[%get3A_73, %get3A_74] : memref<2x320xf32, #tpu.memory_space<vmem>>, vector<2x320xf32>
      %mul3A = arith.constant 1.22070313E-4 : f32
      %mul3A_76 = vector.broadcast %mul3A : f32 to vector<2x320xf32>
      %mul3A_77 = arith.mulf %get3A_75, %mul3A_76 : vector<2x320xf32>
      %add3A_78 = arith.constant 1.000000e-07 : f32
      %add3A_79 = vector.broadcast %add3A_78 : f32 to vector<2x320xf32>
      %add3A_80 = arith.addf %mul3A_77, %add3A_79 : vector<2x320xf32>
      %log3A = math.log %add3A_80 : vector<2x320xf32>
      %mul3A_81 = arith.mulf %mul3A_77, %log3A : vector<2x320xf32>
      %reduce_sum3A_82 = arith.constant dense<0.000000e+00> : vector<2xf32>
      %reduce_sum3A_83 = vector.multi_reduction <add>, %mul3A_81, %reduce_sum3A_82 [1] : vector<2x320xf32> to vector<2xf32>
      %broadcast_in_dim3A_84 = vector.shape_cast %reduce_sum3A_83 : vector<2xf32> to vector<2x1xf32>
      %neg3A = arith.constant 0.000000e+00 : f32
      %neg3A_85 = vector.broadcast %neg3A : f32 to vector<2x1xf32>
      %neg3A_86 = arith.subf %neg3A_85, %broadcast_in_dim3A_84 : vector<2x1xf32>
      %exp3A = math.exp %neg3A_86 : vector<2x1xf32>
      %reduce_sum3A_87 = arith.constant dense<0.000000e+00> : vector<1xf32>
      %reduce_sum3A_88 = vector.multi_reduction <add>, %exp3A, %reduce_sum3A_87 [0] : vector<2x1xf32> to vector<1xf32>
      %broadcast_in_dim3A_89 = vector.shape_cast %reduce_sum3A_88 : vector<1xf32> to vector<1x1xf32>
      %swap3A_90 = arith.constant 0 : index
      %swap3A_91 = arith.constant 0 : index
      %swap3A_92 = vector.load %arg6[%swap3A_90, %swap3A_91] : memref<1x1xf32, #tpu.memory_space<vmem>>, vector<1x1xf32>
      tpu.vector_store %arg6[%swap3A_90, %swap3A_91], %broadcast_in_dim3A_89 {strides = array<i32>} : memref<1x1xf32, #tpu.memory_space<vmem>>, vector<1x1xf32>,
    } else {
    }
    return
  }
  func.func @transform_0(%arg0: i32) -> (i32, i32) {
    %c0_i32 = arith.constant 0 : i32
    %c0_i32_0 = arith.constant 0 : i32
    return %arg0, %c0_i32 : i32, i32
  }
  func.func @transform_1(%arg0: i32) -> (i32, i32) {
    %c0_i32 = arith.constant 0 : i32
    %c0_i32_0 = arith.constant 0 : i32
    %c0_i32_1 = arith.constant 0 : i32
    return %c0_i32, %c0_i32_0 : i32, i32
  }
  func.func @transform_2(%arg0: i32) -> (i32, i32) {
    %c0_i32 = arith.constant 0 : i32
    %c0_i32_0 = arith.constant 0 : i32
    %c0_i32_1 = arith.constant 0 : i32
    return %c0_i32, %c0_i32_0 : i32, i32
  }
  func.func @transform_3(%arg0: i32) -> (i32, i32) {
    %c0_i32 = arith.constant 0 : i32
    %c0_i32_0 = arith.constant 0 : i32
    return %arg0, %c0_i32 : i32, i32
  }
  func.func @transform_4(%arg0: i32) -> (i32, i32) {
    %c0_i32 = arith.constant 0 : i32
    %c0_i32_0 = arith.constant 0 : i32
    return %arg0, %c0_i32 : i32, i32
  }
  func.func @transform_5(%arg0: i32) -> (i32, i32) {
    %c0_i32 = arith.constant 0 : i32
    %c0_i32_0 = arith.constant 0 : i32
    %c0_i32_1 = arith.constant 0 : i32
    return %c0_i32, %c0_i32_0 : i32, i32
  }
}

</mosaic_0001>

<sc_bundles>
// kernel: kernel.4.cloned.1.call-start
scs
__scs_entry_jumppad:
0x0: {  	(pc) =	sbr.rel $0x88, $3  }
0x1: {  	(tag) =	ssettag $0x0;
	lr =	simm.s32 $0x1  }
0x2: {  	[smem:$0x3F9D] =	sst lr;
	_ =	strace $0xD0000000  }
0x3: {  	_ = 	snop  }
0x4: {  	_ = 	snop  }
0x5: {  	_ = 	snop  }
0x6: {  	_ = 	snop  }
0x7: {  	_ = 	snop  }
__scs_overlays_trampoline_lowered:
0x8: {  	[smem:$0x3FAC] =	sst s0  }
0x9: {  	[smem:$0x3FAD] =	sst s1  }
0xa: {  	[smem:$0x3FAE] =	sst s2  }
0xb: {  	[smem:$0x3FAF] =	sst s3  }
0xc: {  	[smem:$0x3FB0] =	sst s4  }
0xd: {  	[smem:$0x3FB1] =	sst s5  }
0xe: {  	[smem:$0x3FB2] =	sst s6  }
0xf: {  	[smem:$0x3FB3] =	sst s7  }
0x10: {  	[smem:$0x3FB4] =	sst s8  }
0x11: {  	[smem:$0x3FB5] =	sst s9;
	s0 =	simm.s32 @!p0 $0x0  }
0x12: {  	s1 =	sld [smem:$0x3F9B];
	s0 =	simm.s32 @p0 $0x1  }
0x13: {  	[smem:$0x3FB6] =	sst s0;
	s0 =	simm.s32 @!p1 $0x0  }
0x14: {  	s2 =	sld [smem:$0x3F9A];
	s0 =	simm.s32 @p1 $0x1  }
0x15: {  	[smem:$0x3FB7] =	sst s0;
	s0 =	simm.s32 @!p2 $0x0  }
0x16: {  	s3 =	sld [smem:$0x3FDB];
	s0 =	simm.s32 @p2 $0x1  }
0x17: {  	s4 =	simm.s32 $0x1BF5;
	[smem:$0x3FB9] =	sst s0  }
0x18: {  	s0 =	sld [smem:$0x3F9C];
	_ =	swait.ge [sflag:s4], $0x0  }
0x19: {  	s7 =	sld [smem:$0x3F9D]  }
0x1a: {  	s8 =	sadd.s32 $0xFFFFE003, lr  }
0x1b: {  	s9 =	sadd.s32 $0xFFFFFEF7, lr;
	s5 =	simm.s32 $0xFFFFFFFF;
	p2 =	slt.u32 s8, $0xFFFFF086  }
0x1c: {  	p1 =	slt.u32 s9, $0xF7A;
	s5 =	simm.s32 @!p2 $0x0  }
0x1d: {  	s5 =	simm.s32 @p1 $0x1;
	p0 =	seq.s32 s7, s2  }
0x1e: {  	s7 =	smul.u32 @!p0 $0xF7A, s2;
	p2 =	seq.s32 @!p0 s5, $0x0  }
0x1f: {  	s9 =	smul.u32 $0xF7A, s1;
	s8 =	simm.s32 @!p0 $0x1BF5;
	p2 =	por !p2, p0  }
0x20: {  	[sflag:s8] =	ssyncset.s32 @!p0 $0xFFFFF086;
	s6 =	sadd.s32 @!p0 s3, s7;
	s7 =	simm.s32 @!p0 $0x108  }
0x21: {  	s3 =	sadd.s32 s3, s9;
	s6 =	sadd.s32 @!p0 $0x88, s6;
	s7 =	simm.s32 @p2 $0x1082  }
0x22: {  	[simem:s7], [sflag:s8] =	dma.local @!p0 [hbm:s6], $0xF7A  }
0x23: {  	s9 =	sor.u32 $0xD0000000, s2;
	s6 =	simm.s32 $0x108;
	_ =	swait.ge @!p0 [sflag:s8], $0x0  }
0x24: {  	s3 =	sadd.s32 $0x88, s3;
	s6 =	simm.s32 @!p1 $0x1082;
	[sflag:s4] =	ssyncset.s32 $0xFFFFF086  }
0x25: {  	[simem:s6], [sflag:s4] =	dma.local [hbm:s3], $0xF7A  }
0x26: {  	[smem:$0x3F9D] =	sst s1;
	(tag) =	ssettag s2;
	_ =	strace s9  }
0x27: {  	s1 =	sld [smem:$0x3FAD]  }
0x28: {  	s2 =	sld [smem:$0x3FAE]  }
0x29: {  	s4 =	sld [smem:$0x3FB0]  }
0x2a: {  	p0 =	seq.s32 s5, $0x0;
	s5 =	sld [smem:$0x3FB1]  }
0x2b: {  	s6 =	sld [smem:$0x3FB2]  }
0x2c: {  	s7 =	sld [smem:$0x3FB3]  }
0x2d: {  	s3 =	simm.s32 $0x108;
	s8 =	sld [smem:$0x3FB4]  }
0x2e: {  	s3 =	simm.s32 @!p0 $0x1082;
	s9 =	sld [smem:$0x3FB5]  }
0x2f: {  	lr =	sadd.s32 s0, s3;
	s0 =	sld [smem:$0x3FAC]  }
0x30: {  	s3 =	sld [smem:$0x3FAF]  }
0x31: {  	[smem:$0x3FB8] =	sst s10  }
0x32: {  	s10 =	sld [smem:$0x3FB6];
	_ =	sdelay $0x3  }
0x33: {  	p0 =	seq.s32 s10, $0x1;
	s10 =	sld [smem:$0x3FB8];
	_ =	sdelay $0x3  }
0x34: {  	[smem:$0x3FB8] =	sst s10  }
0x35: {  	s10 =	sld [smem:$0x3FB7];
	_ =	sdelay $0x3  }
0x36: {  	p1 =	seq.s32 s10, $0x1;
	s10 =	sld [smem:$0x3FB8];
	_ =	sdelay $0x3  }
0x37: {  	[smem:$0x3FB8] =	sst s10  }
0x38: {  	s10 =	sld [smem:$0x3FB9]  }
0x39: {  	_ = 	snop;
	(pc) =	sbr.ind lr, $3  }
0x3a: {  	_ = 	snop  }
0x3b: {  	_ = 	snop  }
0x3c: {  	p2 =	seq.s32 s10, $0x1;
	s10 =	sld [smem:$0x3FB8]  }
0x3d: {  	_ =	shalt  }
0x3e: {  	_ =	shalt  }
0x3f: {  	_ =	shalt  }
0x40: {  	_ =	shalt  }
0x41: {  	_ =	shalt  }
0x42: {  	_ =	shalt  }
0x43: {  	_ =	shalt  }
0x44: {  	_ =	shalt  }
0x45: {  	_ =	shalt  }
0x46: {  	_ =	shalt  }
0x47: {  	_ =	shalt  }
0x48: {  	_ =	shalt  }
0x49: {  	_ =	shalt  }
0x4a: {  	_ =	shalt  }
0x4b: {  	_ =	shalt  }
0x4c: {  	_ =	shalt  }
0x4d: {  	_ =	shalt  }
0x4e: {  	_ =	shalt  }
0x4f: {  	_ =	shalt  }
0x50: {  	_ =	shalt  }
0x51: {  	_ =	shalt  }
0x52: {  	_ =	shalt  }
0x53: {  	_ =	shalt  }
0x54: {  	_ =	shalt  }
0x55: {  	_ =	shalt  }
0x56: {  	_ =	shalt  }
0x57: {  	_ =	shalt  }
0x58: {  	_ =	shalt  }
0x59: {  	_ =	shalt  }
0x5a: {  	_ =	shalt  }
0x5b: {  	_ =	shalt  }
0x5c: {  	_ =	shalt  }
0x5d: {  	_ =	shalt  }
0x5e: {  	_ =	shalt  }
0x5f: {  	_ =	shalt  }
0x60: {  	_ =	shalt  }
0x61: {  	_ =	shalt  }
0x62: {  	_ =	shalt  }
0x63: {  	_ =	shalt  }
0x64: {  	_ =	shalt  }
0x65: {  	_ =	shalt  }
0x66: {  	_ =	shalt  }
0x67: {  	_ =	shalt  }
0x68: {  	_ =	shalt  }
0x69: {  	_ =	shalt  }
0x6a: {  	_ =	shalt  }
0x6b: {  	_ =	shalt  }
0x6c: {  	_ =	shalt  }
0x6d: {  	_ =	shalt  }
0x6e: {  	_ =	shalt  }
0x6f: {  	_ =	shalt  }
0x70: {  	_ =	shalt  }
0x71: {  	_ =	shalt  }
0x72: {  	_ =	shalt  }
0x73: {  	_ =	shalt  }
0x74: {  	_ =	shalt  }
0x75: {  	_ =	shalt  }
0x76: {  	_ =	shalt  }
0x77: {  	_ =	shalt  }
0x78: {  	_ =	shalt  }
0x79: {  	_ =	shalt  }
0x7a: {  	_ =	shalt  }
0x7b: {  	_ =	shalt  }
0x7c: {  	_ =	shalt  }
0x7d: {  	_ =	shalt  }
0x7e: {  	_ =	shalt  }
0x7f: {  	_ =	shalt  }
0x80: {  	_ =	shalt  }
0x81: {  	_ =	shalt  }
0x82: {  	_ =	shalt  }
0x83: {  	_ =	shalt  }
0x84: {  	_ =	shalt  }
0x85: {  	_ =	shalt  }
0x86: {  	_ =	shalt  }
0x87: {  	_ =	shalt  }
.Lfunc_end0:
.L_simem_size_0:
called_computation_lowered:
.L_overlay_start_0:
0x88: {  	s2 =	sld [smem:$0x3FD9]  }
0x89: {  	s3 =	sld [smem:$0x3FFE];
	_ =	sdelay $0x1  }
0x8a: {  	s1 =	srdreg.scid  }
0x8b: {  	s0 =	sand.u32 $0x1, s1  }
0x8c: {  	s14 =	sshll.u32 s0, $0xA;
	s2 =	sadd.s32 s3, s2  }
0x8d: {  	s2 =	sadd.s32 s2, s14  }
0x8e: {  	[smem:$0x3FC4] =	sst s2  }
0x8f: {  	_ = 	snop  }
0x90: {  	s2 =	sld [smem:$0x3FD0];
	_ =	sdelay $0x2  }
0x91: {  	s4 =	simm.s32 $0xA;
	s5 =	simm.s32 $0x10;
	s15 =	sld [smem:$0x3FC6]  }
0x92: {  	[smem:s5], [sflag:s4] =	dma.local [hbm:s2], $0x1  }
0x93: {  	_ =	swait.eq [sflag:s4], $0x1  }
0x94: {  	[sflag:s4] =	ssyncset.done $0x0  }
0x95: {  	[sflag:s4] =	ssyncadd.s32 $0xFFFFFFFF  }
0x96: {  	s16 =	sld [smem:$0x10];
	(tm) =	ssettm $0x1  }
0x97: {  	s17 =	sld [smem:$0x3FFB];
	_ =	sdelay $0x3  }
0x98: {  	_ =	strace s17  }
0x99: {  	s4 =	sld [smem:$0x3FFC];
	_ =	sdelay $0x3  }
0x9a: {  	_ =	strace s4  }
0x9b: {  	s4 =	sld [smem:$0x3FFD];
	_ =	sdelay $0x3  }
0x9c: {  	_ =	strace s4  }
0x9d: {  	_ =	strace $0x8FFFFFFF  }
0x9e: {  	s18 =	sld [smem:$0x3FDB];
	_ =	sdelay $0x1  }
0x9f: {  	s19 =	simm.s32 $_scs_section_size  }
0xa0: {  	s6 =	simm.s32 $_size__tile_overlayer_lowered;
	s7 =	simm.s32 $_tile_overlayer_lowered  }
0xa1: {  	s22 =	simm.s32 $0x1BFF;
	s21 =	sshll.u32 s7, $0x1;
	s4 =	sadd.s32 s19, s18  }
0xa2: {  	s8 =	simm.s32 $0x0;
	s20 =	sshll.u32 s6, $0x1;
	s6 =	sadd.s32 s21, s4  }
0xa3: {  	[timem:s8], [sflag:s22] =	dma.local [hbm:s6], s20  }
0xa4: {  	_ =	swait.ge [sflag:s22], s20  }
0xa5: {  	s5 =	ssub.s32 $0x0, s20;
	[sflag:s22] =	ssyncset.done $0x0  }
0xa6: {  	[sflag:s22] =	ssyncadd.s32 s5;
	_ =	sdelay $0x1  }
0xa7: {  	s23 =	simm.s32 $0x1B8B  }
0xa8: {  	_ =	swait.ge [sflag:s23], $0x1  }
0xa9: {  	[sflag:s23] =	ssyncset.done $0x0  }
0xaa: {  	s25 =	simm.s32 $0x1B8E;
	s24 =	sld [smem:$0x3FFE];
	[sflag:s23] =	ssyncadd.s32 $0xFFFFFFFF  }
0xab: {  	s26 =	simm.s32 $execute0_lowered;
	[smem:$0x3FD2] =	sst s25  }
0xac: {  	s6 =	sshll.u32 s26, $0x1;
	_ =	strace $0x80000046;
	[dreg:$0x1] =	wrdreg $0xFFFFFFFF  }
0xad: {  	s28 =	simm.s32 $_size_execute0_lowered;
	s4 =	sadd.s32 s4, s6;
	[dreg:$0x0] =	wrdreg $0x0  }
0xae: {  	s6 =	sshll.u32 s28, $0x1;
	[dreg:$0x2] =	wrdreg s4  }
0xaf: {  	[dreg:$0x3] =	wrdreg s6  }
0xb0: {  	[dreg:$0x4] =	wrdreg $0xC0  }
0xb1: {  	_ =	task [dreg:s8], $0x5FFFF  }
0xb2: {  	[dreg:$0x1] =	wrdreg $0xFFFFFFFF  }
0xb3: {  	[dreg:$0x0] =	wrdreg $0x60  }
0xb4: {  	[dreg:$0x2] =	wrdreg s15  }
0xb5: {  	[dreg:$0x3] =	wrdreg s24  }
0xb6: {  	[dreg:$0x4] =	wrdreg s16  }
0xb7: {  	[dreg:$0x5] =	wrdreg $0x102000  }
0xb8: {  	[dreg:$0x6] =	wrdreg $0x9  }
0xb9: {  	_ =	task.clear_ibuf [dreg:s8], $0x7FFFF;
	_ =	strace $0x90000046  }
0xba: {  	s29 =	simm.s32 $0x9;
	_ =	strace $0x80000048  }
0xbb: {  	_ =	swait.ge [sflag:s29], $0x1  }
0xbc: {  	[sflag:s29] =	ssyncadd.s32 $0xFFFFFFFF  }
0xbd: {  	_ =	strace $0x90000048  }
0xbe: {  	_ =	sfence  }
0xbf: {  	s30 =	sld [smem:$0x0];
	_ =	sdelay $0x2  }
0xc0: {  	s31 =	sshll.u32 s1, $0xD;
	s1 =	sshrl.u32 s1, $0x2  }
0xc1: {  	s3 =	sand.u32 $0x4000, s31;
	s1 =	sadd.s32 s1, s30  }
0xc2: {  	s0 =	sor.u32 s3, s0;
	s1 =	sshll.u32 s1, $0x11  }
0xc3: {  	s0 =	sor.u32 s1, s0  }
0xc4: {  	s0 =	sadd.s32 $0x8F2B, s0  }
0xc5: {  	[sflag:s0] =	ssyncadd.remote.s32 $0x1  }
0xc6: {  	_ =	sfence.sel $0xFFFF  }
0xc7: {  	[dreg:$0x0] =	wrdreg $0xFFFFFFFF;
	(pc) =	sbr.abs _section_cstart, $3  }
0xc8: {  	[dreg:$0x1] =	wrdreg $0xFFFFFFFF  }
0xc9: {  	_ =	task.clear_ibuf [dreg:s8], $0x2FFFF;
	_ =	strace $0x9FFFFFFF  }
0xca: {  	(tm) =	ssettm $0x7FFFFFFF  }
0xcb: {  	_ =	shalt  }
tec
execute0_lowered:
.L_overlay_start_1:
0x0: {  	(tag) =	ssettag $0x1  }
0x1: {  	s3 =	rddreg [dreg:$0x0]  }
0x2: {  	s4 =	rddreg [dreg:$0x1]  }
0x3: {  	s5 =	rddreg [dreg:$0x2]  }
0x4: {  	s1 =	rddreg [dreg:$0x3]  }
0x5: {  	s0 =	rddreg [dreg:$0x4];
	s2 =	simm.s32 $0x0;
	s6 =	srdreg.scid  }
0x6: {  	s9 =	stileid.u32;
	s18 =	simm.s32 $0x3;
	s17 =	simm.s32 $0x80  }
0x7: {  	s15 =	simm.s32 $0x200;
	s13 =	simm.s32 $0x4200;
	s6 =	sand.u32 $0x1, s6  }
0x8: {  	s19 =	simm.s32 $0x100;
	s20 =	simm.s32 $0x180;
	s8 =	ssub.s32 $0x2, s6  }
0x9: {  	s12 =	simm.s32 $0x400;
	s14 =	simm.s32 $0x800;
	s10 =	sshrl.u32 s8, $0x1  }
0xa: {  	p1 =	por $0x0, $0x0;
	[smem:$0x7FF] =	sst s2;
	s8 =	ssub.s32 s8, s10  }
0xb: {  	s7 =	sadd.s32 $0xE00, s4;
	s4 =	sadd.s32 $0x1200, s4;
	s31 =	smax.u32 s8, $0x1  }
0xc: {  	s30 =	sshll.u32 s9, $0xE;
	s11 =	sshll.u32 s9, $0x6;
	s24 =	sadd.s32 $0xFFFFFFFF, s31  }
0xd: {  	p0 =	seq.s32 s6, $0x1;
	s6 =	sadd.s32 $0x80, s5;
	p2 =	sne.s32 s24, $0x0  }
.Ltmp0:
0xe: {  	_ =	strace $0x80000047;
	s5 =	smov.u32 @p0 s6;
	(pc) =	sbr.rel @!p2 .LBB2_3-.Ltmp0, $4  }
0xf: {  	s7 =	smov.u32 @p0 s4;
	p0 =	sne.s32 s9, $0x0;
	s9 =	simm.s32 $0xC200  }
0x10: {  	s6 =	simm.s32 $0x2;
	s16 =	sadd.s32 s7, s11;
	s21 =	sshrl.u32 @!p0 s1, $0x3  }
0x11: {  	s10 =	simm.s32 $0x8200;
	s11 =	simm.s32 $0x1;
	s8 =	sadd.s32 s30, s5  }
0x12: {  	s7 =	sadd.s32 $0x1000, s8;
	s5 =	sadd.s32 $0x2000, s8;
	s4 =	sadd.s32 $0x3000, s8  }
0x13: {  	s22 =	simm.s32 @!p0 $0x1C03;
	s23 =	simm.s32 @!p0 $0x3  }
0x14: {  	[spmem:s21], [sflag:s22] =	dma.local @!p0 [hbm:s3], $0x2800  }
0x15: {  	_ =	swait.ge @!p0 [sflag:s23], $0x2800  }
0x16: {  	[sflag:s23] =	ssyncset.done @!p0 $0x0  }
0x17: {  	[sflag:s23] =	ssyncadd.s32 @!p0 $0xFFFFD800  }
0x18: {  	[bflag:$0x0] =	sbarrier.arrive $0xFFFF  }
0x19: {  	[tilespmem:s2], [sflag:$0x3] =	stream.linear.gather [hbm4b:s16+s2], $0x200, $0x38;
	[tilespmem:$0x11600] =	vst v63  }
0x1a: {  	_ =	swait.ge [sflag:s18], $0x200  }
0x1b: {  	[sflag:s18] =	ssyncset.done $0x0  }
0x1c: {  	[sflag:s18] =	ssyncadd.s32 $0xFFFFFE00  }
0x1d: {  	[tilespmem:s15], [sflag:$0x1] =	stream.indirect.gather [spmem:s1], $0x80, s2, s17, $0xb8;
	[tilespmem:$0x11600] =	vst v63  }
0x1e: {  	_ = 	snop  }
0x1f: {  	[tilespmem:s13], [sflag:$0x1] =	stream.indirect.gather [spmem:s1], $0x80, s17, s17, $0xb8;
	[tilespmem:$0x11600] =	vst v63  }
0x20: {  	_ = 	snop  }
0x21: {  	[tilespmem:s10], [sflag:$0x1] =	stream.indirect.gather [spmem:s1], $0x80, s19, s17, $0xb8;
	[tilespmem:$0x11600] =	vst v63  }
0x22: {  	_ = 	snop  }
0x23: {  	[tilespmem:s9], [sflag:$0x1] =	stream.indirect.gather [spmem:s1], $0x80, s20, s17, $0xb8;
	[tilespmem:$0x11600] =	vst v63  }
0x24: {  	_ =	swait.ge [sflag:s11], $0x4000  }
0x25: {  	[sflag:s11] =	ssyncset.done $0x0  }
0x26: {  	[sflag:s11] =	ssyncadd.s32 $0xFFFFC000  }
0x27: {  	[hbm4b:s8+s12] =	stream.strided.scatter [tilespmem:s15], [sflag:$0x2], $0x4000, s14, s12, $0x38;
	[tilespmem:$0x11600] =	vst v63  }
0x28: {  	_ =	swait.ge [sflag:s11], $0x4000  }
0x29: {  	[sflag:s11] =	ssyncset.done $0x0  }
0x2a: {  	[sflag:s11] =	ssyncadd.s32 $0xFFFFC000  }
0x2b: {  	[hbm4b:s7+s12] =	stream.strided.scatter [tilespmem:s13], [sflag:$0x2], $0x4000, s14, s12, $0x38;
	[tilespmem:$0x11600] =	vst v63  }
0x2c: {  	_ =	swait.ge [sflag:s11], $0x4000  }
0x2d: {  	[sflag:s11] =	ssyncset.done $0x0  }
0x2e: {  	[sflag:s11] =	ssyncadd.s32 $0xFFFFC000  }
0x2f: {  	[hbm4b:s5+s12] =	stream.strided.scatter [tilespmem:s10], [sflag:$0x2], $0x4000, s14, s12, $0x38;
	[tilespmem:$0x11600] =	vst v63  }
0x30: {  	_ =	swait.ge [sflag:s11], $0x4000  }
0x31: {  	[sflag:s11] =	ssyncset.done $0x0  }
0x32: {  	[sflag:s11] =	ssyncadd.s32 $0xFFFFC000  }
0x33: {  	[hbm4b:s4+s12] =	stream.strided.scatter [tilespmem:s9], [sflag:$0x2], $0x4000, s14, s12, $0x38;
	[tilespmem:$0x11600] =	vst v63  }
0x34: {  	_ =	swait.ge [sflag:s6], $0x4000  }
0x35: {  	[sflag:s6] =	ssyncset.done $0x0  }
0x36: {  	[sflag:s6] =	ssyncadd.s32 $0xFFFFC000  }
0x37: {  	_ =	swait.ge [sflag:s6], $0x4000  }
0x38: {  	s24 =	sadd.s32 $0xFFFFFFFF, s24;
	[sflag:s6] =	ssyncset.done $0x0  }
0x39: {  	p2 =	sne.s32 s24, $0x0;
	[sflag:s6] =	ssyncadd.s32 $0xFFFFC000  }
.Ltmp1:
0x3a: {  	_ =	swait.ge [sflag:s6], $0x4000;
	(pc) =	sbr.rel @!p2 .LBB2_3-.Ltmp1, $4  }
0x3b: {  	[sflag:s6] =	ssyncset.done $0x0  }
0x3c: {  	[sflag:s6] =	ssyncadd.s32 $0xFFFFC000  }
0x3d: {  	_ =	swait.ge [sflag:s6], $0x4000  }
0x3e: {  	p1 =	por $0x1, $0x1;
	[sflag:s6] =	ssyncset.done $0x0  }
.LBB2_2:
0x3f: {  	[sflag:s6] =	ssyncadd.s32 $0xFFFFC000  }
0x40: {  	[spmem:s21], [sflag:s22] =	dma.local @!p0 [hbm:s3], $0x2800  }
0x41: {  	s24 =	sadd.s32 $0xFFFFFFFF, s24;
	_ =	swait.ge @!p0 [sflag:s23], $0x2800  }
0x42: {  	p2 =	sne.s32 s24, $0x0;
	[sflag:s23] =	ssyncset.done @!p0 $0x0  }
0x43: {  	[sflag:s23] =	ssyncadd.s32 @!p0 $0xFFFFD800  }
0x44: {  	[bflag:$0x0] =	sbarrier.arrive $0xFFFF  }
0x45: {  	[tilespmem:s2], [sflag:$0x3] =	stream.linear.gather [hbm4b:s16+s2], $0x200, $0x38;
	[tilespmem:$0x11600] =	vst v63  }
0x46: {  	_ =	swait.ge [sflag:s18], $0x200  }
0x47: {  	[sflag:s18] =	ssyncset.done $0x0  }
0x48: {  	[sflag:s18] =	ssyncadd.s32 $0xFFFFFE00  }
0x49: {  	[tilespmem:s15], [sflag:$0x1] =	stream.indirect.gather [spmem:s1], $0x80, s2, s17, $0xb8;
	[tilespmem:$0x11600] =	vst v63  }
0x4a: {  	_ = 	snop  }
0x4b: {  	[tilespmem:s13], [sflag:$0x1] =	stream.indirect.gather [spmem:s1], $0x80, s17, s17, $0xb8;
	[tilespmem:$0x11600] =	vst v63  }
0x4c: {  	_ = 	snop  }
0x4d: {  	[tilespmem:s10], [sflag:$0x1] =	stream.indirect.gather [spmem:s1], $0x80, s19, s17, $0xb8;
	[tilespmem:$0x11600] =	vst v63  }
0x4e: {  	_ = 	snop  }
0x4f: {  	[tilespmem:s9], [sflag:$0x1] =	stream.indirect.gather [spmem:s1], $0x80, s20, s17, $0xb8;
	[tilespmem:$0x11600] =	vst v63  }
0x50: {  	_ =	swait.ge [sflag:s11], $0x4000  }
0x51: {  	[sflag:s11] =	ssyncset.done $0x0  }
0x52: {  	[sflag:s11] =	ssyncadd.s32 $0xFFFFC000  }
0x53: {  	[hbm4b:s8+s12] =	stream.strided.scatter [tilespmem:s15], [sflag:$0x2], $0x4000, s14, s12, $0x38;
	[tilespmem:$0x11600] =	vst v63  }
0x54: {  	_ =	swait.ge [sflag:s11], $0x4000  }
0x55: {  	[sflag:s11] =	ssyncset.done $0x0  }
0x56: {  	[sflag:s11] =	ssyncadd.s32 $0xFFFFC000  }
0x57: {  	[hbm4b:s7+s12] =	stream.strided.scatter [tilespmem:s13], [sflag:$0x2], $0x4000, s14, s12, $0x38;
	[tilespmem:$0x11600] =	vst v63  }
0x58: {  	_ =	swait.ge [sflag:s11], $0x4000  }
0x59: {  	[sflag:s11] =	ssyncset.done $0x0  }
0x5a: {  	[sflag:s11] =	ssyncadd.s32 $0xFFFFC000  }
0x5b: {  	[hbm4b:s5+s12] =	stream.strided.scatter [tilespmem:s10], [sflag:$0x2], $0x4000, s14, s12, $0x38;
	[tilespmem:$0x11600] =	vst v63  }
0x5c: {  	_ =	swait.ge [sflag:s11], $0x4000  }
0x5d: {  	[sflag:s11] =	ssyncset.done $0x0  }
0x5e: {  	[sflag:s11] =	ssyncadd.s32 $0xFFFFC000  }
0x5f: {  	[hbm4b:s4+s12] =	stream.strided.scatter [tilespmem:s9], [sflag:$0x2], $0x4000, s14, s12, $0x38;
	[tilespmem:$0x11600] =	vst v63  }
0x60: {  	_ =	swait.ge [sflag:s6], $0x4000  }
0x61: {  	[sflag:s6] =	ssyncset.done $0x0  }
0x62: {  	[sflag:s6] =	ssyncadd.s32 $0xFFFFC000  }
0x63: {  	_ =	swait.ge [sflag:s6], $0x4000  }
0x64: {  	[sflag:s6] =	ssyncset.done $0x0  }
0x65: {  	[sflag:s6] =	ssyncadd.s32 $0xFFFFC000  }
.Ltmp2:
0x66: {  	_ =	swait.ge [sflag:s6], $0x4000;
	(pc) =	sbr.rel @p2 .LBB2_2-.Ltmp2, $4  }
0x67: {  	[sflag:s6] =	ssyncset.done $0x0  }
0x68: {  	[sflag:s6] =	ssyncadd.s32 $0xFFFFC000  }
0x69: {  	_ =	swait.ge [sflag:s6], $0x4000  }
0x6a: {  	[sflag:s6] =	ssyncset.done $0x0  }
.LBB2_3:
0x6b: {  	s22 =	simm.s32 @!p0 $0x1C03;
	s23 =	simm.s32 @!p0 $0x3;
	[sflag:s6] =	ssyncadd.s32 @p1 $0xFFFFC000  }
0x6c: {  	[spmem:s21], [sflag:s22] =	dma.local @!p0 [hbm:s3], $0x2800  }
0x6d: {  	_ =	swait.ge @!p0 [sflag:s23], $0x2800  }
0x6e: {  	[sflag:s23] =	ssyncset.done @!p0 $0x0  }
0x6f: {  	[sflag:s23] =	ssyncadd.s32 @!p0 $0xFFFFD800  }
0x70: {  	[bflag:$0x0] =	sbarrier.arrive $0xFFFF  }
0x71: {  	[tilespmem:s2], [sflag:$0x3] =	stream.linear.gather [hbm4b:s16+s2], $0x200, $0x38;
	[tilespmem:$0x11600] =	vst v63  }
0x72: {  	_ =	swait.ge [sflag:s18], $0x200  }
0x73: {  	[sflag:s18] =	ssyncset.done $0x0  }
0x74: {  	[sflag:s18] =	ssyncadd.s32 $0xFFFFFE00  }
0x75: {  	[tilespmem:s15], [sflag:$0x1] =	stream.indirect.gather [spmem:s1], $0x80, s2, s17, $0xb8;
	[tilespmem:$0x11600] =	vst v63  }
0x76: {  	_ = 	snop  }
0x77: {  	[tilespmem:s13], [sflag:$0x1] =	stream.indirect.gather [spmem:s1], $0x80, s17, s17, $0xb8;
	[tilespmem:$0x11600] =	vst v63  }
0x78: {  	_ = 	snop  }
0x79: {  	[tilespmem:s10], [sflag:$0x1] =	stream.indirect.gather [spmem:s1], $0x80, s19, s17, $0xb8;
	[tilespmem:$0x11600] =	vst v63  }
0x7a: {  	_ = 	snop  }
0x7b: {  	[tilespmem:s9], [sflag:$0x1] =	stream.indirect.gather [spmem:s1], $0x80, s20, s17, $0xb8;
	[tilespmem:$0x11600] =	vst v63  }
0x7c: {  	_ =	swait.ge [sflag:s11], $0x4000  }
0x7d: {  	[sflag:s11] =	ssyncset.done $0x0  }
0x7e: {  	[sflag:s11] =	ssyncadd.s32 $0xFFFFC000  }
0x7f: {  	[hbm4b:s8+s12] =	stream.strided.scatter [tilespmem:s15], [sflag:$0x2], $0x4000, s14, s12, $0x38;
	[tilespmem:$0x11600] =	vst v63  }
0x80: {  	_ =	swait.ge [sflag:s11], $0x4000  }
0x81: {  	[sflag:s11] =	ssyncset.done $0x0  }
0x82: {  	[sflag:s11] =	ssyncadd.s32 $0xFFFFC000  }
0x83: {  	[hbm4b:s7+s12] =	stream.strided.scatter [tilespmem:s13], [sflag:$0x2], $0x4000, s14, s12, $0x38;
	[tilespmem:$0x11600] =	vst v63  }
0x84: {  	_ =	swait.ge [sflag:s11], $0x4000  }
0x85: {  	[sflag:s11] =	ssyncset.done $0x0  }
0x86: {  	[sflag:s11] =	ssyncadd.s32 $0xFFFFC000  }
0x87: {  	[hbm4b:s5+s12] =	stream.strided.scatter [tilespmem:s10], [sflag:$0x2], $0x4000, s14, s12, $0x38;
	[tilespmem:$0x11600] =	vst v63  }
0x88: {  	_ =	swait.ge [sflag:s11], $0x4000  }
0x89: {  	[sflag:s11] =	ssyncset.done $0x0  }
0x8a: {  	[sflag:s11] =	ssyncadd.s32 $0xFFFFC000  }
0x8b: {  	[hbm4b:s4+s12] =	stream.strided.scatter [tilespmem:s9], [sflag:$0x2], $0x4000, s14, s12, $0x38;
	[tilespmem:$0x11600] =	vst v63  }
0x8c: {  	_ =	swait.ge [sflag:s6], $0x4000  }
0x8d: {  	[sflag:s6] =	ssyncset.done $0x0  }
0x8e: {  	[sflag:s6] =	ssyncadd.s32 $0xFFFFC000  }
0x8f: {  	_ =	swait.ge [sflag:s6], $0x4000  }
0x90: {  	[sflag:s6] =	ssyncset.done $0x0  }
0x91: {  	[sflag:s6] =	ssyncadd.s32 $0xFFFFC000  }
0x92: {  	_ =	swait.ge [sflag:s6], $0x4000  }
0x93: {  	[sflag:s6] =	ssyncset.done $0x0  }
0x94: {  	[sflag:s6] =	ssyncadd.s32 $0xFFFFC000  }
0x95: {  	_ =	swait.ge [sflag:s6], $0x4000  }
0x96: {  	[sflag:s6] =	ssyncset.done $0x0  }
0x97: {  	[sflag:s6] =	ssyncadd.s32 $0xFFFFC000  }
0x98: {  	_ =	sfence.sel $0x180000  }
0x99: {  	[bflag:$0x0] =	sbarrier.arrive $0xFFFF  }
0x9a: {  	_ =	strace $0x90000047  }
0x9b: {  	s0 =	sadd.s32 @!p0 $0x100000, s0;
	[bflag:$0x2] =	sbarrier.arrive $0xFFFF  }
0x9c: {  	[sflag:s0] =	ssyncadd.tile.s32 @!p0 $0x1;
	_ =	shalt  }
.Lfunc_end2:
_tile_overlayer_lowered:
.L_overlay_start_2:
0x9d: {  	(tag) =	ssettag $0x2  }
0x9e: {  	s0 =	rddreg [dreg:$0x0];
	s2 =	stileid.u32  }
0x9f: {  	s1 =	rddreg [dreg:$0x1];
	p0 =	sne.s32 s2, $0x0  }
0xa0: {  	s3 =	rddreg [dreg:$0x2];
	[bflag:$0x3] =	sbarrier.arrive $0xFFFF;
	s2 =	simm.s32 @!p0 $0x1C03  }
0xa1: {  	[timem:s3], [sflag:s2] =	dma.local @!p0 [hbm:s0], s1  }
0xa2: {  	s0 =	simm.s32 @!p0 $0x3  }
0xa3: {  	_ =	swait.ge @!p0 [sflag:s0], s1  }
0xa4: {  	s1 =	ssub.s32 @!p0 $0x0, s1;
	[sflag:s0] =	ssyncset.done @!p0 $0x0  }
0xa5: {  	[sflag:s0] =	ssyncadd.s32 @!p0 s1  }
0xa6: {  	[bflag:$0x3] =	sbarrier.arrive $0xFFFF  }
0xa7: {  	_ =	shalt  }

</sc_bundles>
